<compile_context>
chip_gen: v7x
topology: tpu7x:2x2x1
jax: 0.10.2.dev20260603
libtpu: 0.0.44.dev20260713+nightly
codegen_flags: <defaults>
</compile_context>

<pallas_src>
import functools

import jax
import jax.numpy as jnp
from jax import lax
from jax.experimental import pallas as pl
from jax.experimental.pallas import tpu as pltpu
from jax.experimental.pallas import tpu_sc as plsc

_LANES = 16


@functools.cache
def _build(B, V, D):
    info = plsc.get_sparse_core_info()
    nc, ns = info.num_cores, info.num_subcores
    nw = nc * ns
    assert B % (nw * _LANES) == 0
    b_per_w = B // nw

    mesh = plsc.VectorSubcoreMesh(core_axis_name="c", subcore_axis_name="s")

    @functools.partial(
        pl.kernel,
        mesh=mesh,
        out_type=jax.ShapeDtypeStruct((D, B), jnp.float32),
        scratch_types=[
            pltpu.VMEM((b_per_w,), jnp.int32),
            pltpu.VMEM((V * D,), jnp.float32),
            pltpu.VMEM((D, b_per_w), jnp.float32),
            pltpu.SemaphoreType.DMA,
            pltpu.SemaphoreType.DMA,
        ],
        compiler_params=pltpu.CompilerParams(
            needs_layout_passes=False,
            disable_semaphore_checks=True,
            skip_device_barrier=True,
        ),
    )
    def emb(idx_hbm, table_hbm, out_hbm, idx_v, table_v, buf, lsem, ssem):
        wid = lax.axis_index("s") * nc + lax.axis_index("c")
        base = wid * b_per_w
        cp_idx = pltpu.async_copy(idx_hbm.at[pl.ds(base, b_per_w)], idx_v, lsem)
        cp_tab = pltpu.async_copy(table_hbm, table_v, lsem)
        cp_idx.wait()
        cp_tab.wait()

        @plsc.parallel_loop(0, b_per_w, step=_LANES, unroll=1)
        def body(i):
            idxv = idx_v[pl.ds(i, _LANES)]
            for d in range(D):
                v = plsc.load_gather(table_v, [idxv + d * V])
                buf[d, pl.ds(i, _LANES)] = v

        pltpu.async_copy(buf, out_hbm.at[:, pl.ds(base, b_per_w)], ssem).wait()

    def run(world_id, table):
        return emb(world_id, table.T.reshape(-1)).T

    return run


def kernel(world_id, table):
    B, = world_id.shape
    V, D = table.shape
    return _build(B, V, D)(world_id, table)

# --- scband reference (transcript-rebuilt; emitter-appended) ---
"""Pipeline reference for scband-world-embedding-28767690948924 (READ-ONLY COPY).

The authoritative reference and input builder live on the scoring server;
editing this copy changes nothing except your own understanding.
"""

import jax, jax.numpy as jnp
import numpy as np

NUM_WORLDS = 64
EMBED_DIM = 32
BATCH = 16384

def setup_inputs(seed: int = 0) -> dict:
    key = jax.random.key(seed)
    k1, k2 = jax.random.split(key)
    world_id = jax.random.randint(k1, (BATCH,), 0, NUM_WORLDS, dtype=jnp.int32)
    # nn.Embedding default init: N(0, 1)
    table = jax.random.normal(k2, (NUM_WORLDS, EMBED_DIM), dtype=jnp.float32)
    return {"world_id": world_id, "table": table}

def reference(world_id, table):
    # WorldEmbedding.forward with tensor input: self.embeddings(world_id)
    return jnp.take(table, world_id, axis=0)

if __name__ == "__main__":
    import jax
    _d = setup_inputs()
    print(jax.jit(kernel)(*tuple(_d.values())))

</pallas_src>

<mosaic_0001>
#map = affine_map<(d0, d1) -> (0)>
#map1 = affine_map<(d0, d1) -> (0, 0)>
module attributes {stable_mosaic.version = 14 : i64} {
  func.func @emb(%arg0: i32, %arg1: i32, %arg2: memref<16384xi32, #tpu.memory_space<hbm>>, %arg3: memref<2048xf32, #tpu.memory_space<hbm>>, %arg4: memref<32x16384xf32, #tpu.memory_space<hbm>>, %arg5: memref<512xi32, #tpu.memory_space<vmem>>, %arg6: memref<2048xf32, #tpu.memory_space<vmem>>, %arg7: memref<32x512xf32, #tpu.memory_space<vmem>>, %arg8: memref<!tpu.dma_semaphore, #tpu.memory_space<semaphore_mem>>, %arg9: memref<!tpu.dma_semaphore, #tpu.memory_space<semaphore_mem>>) attributes {dimension_semantics = [#tpu.dimension_semantics<core_parallel>, #tpu.dimension_semantics<subcore_parallel>], iteration_bounds = array<i64: 2, 16>, scalar_prefetch = 0 : i64, scratch_operands = 5 : i64, tpu.core_type = #tpu.core_type<sc_vector_subcore>, window_params = [{transform_indices = #map}, {transform_indices = #map}, {transform_indices = #map1}]} {
    %mul3A = arith.constant 2 : i32
    %mul3A_0 = arith.muli %arg1, %mul3A : i32
    %add3A = arith.addi %mul3A_0, %arg0 : i32
    %mul3A_1 = arith.constant 512 : i32
    %mul3A_2 = arith.muli %add3A, %mul3A_1 : i32
    %dma_start3A = tpu.memref_slice %arg2[%mul3A_2] : memref<16384xi32, #tpu.memory_space<hbm>> -> memref<512xi32, #tpu.memory_space<hbm>>
    %dma_start3A_3 = tpu.memref_slice %arg2[%mul3A_2] : memref<16384xi32, #tpu.memory_space<hbm>> -> memref<512xi32, #tpu.memory_space<hbm>>
    tpu.enqueue_dma source(%dma_start3A_3 : memref<512xi32, #tpu.memory_space<hbm>>) target(%arg5 : memref<512xi32, #tpu.memory_space<vmem>>) target_semaphore(%arg8 : memref<!tpu.dma_semaphore, #tpu.memory_space<semaphore_mem>>)
    tpu.enqueue_dma source(%arg3 : memref<2048xf32, #tpu.memory_space<hbm>>) target(%arg6 : memref<2048xf32, #tpu.memory_space<vmem>>) target_semaphore(%arg8 : memref<!tpu.dma_semaphore, #tpu.memory_space<semaphore_mem>>)
    %dma_wait3A = tpu.memref_slice %arg2[%mul3A_2] : memref<16384xi32, #tpu.memory_space<hbm>> -> memref<512xi32, #tpu.memory_space<hbm>>
    %dma_wait3A_4 = tpu.memref_slice %arg2[%mul3A_2] : memref<16384xi32, #tpu.memory_space<hbm>> -> memref<512xi32, #tpu.memory_space<hbm>>
    tpu.wait_dma2 semaphore(%arg8 : memref<!tpu.dma_semaphore, #tpu.memory_space<semaphore_mem>>) src(%dma_wait3A_4 : memref<512xi32, #tpu.memory_space<hbm>>) dst(%arg5 : memref<512xi32, #tpu.memory_space<vmem>>)
    tpu.wait_dma2 semaphore(%arg8 : memref<!tpu.dma_semaphore, #tpu.memory_space<semaphore_mem>>) src(%arg3 : memref<2048xf32, #tpu.memory_space<hbm>>) dst(%arg6 : memref<2048xf32, #tpu.memory_space<vmem>>)
    %parallel_loop3A = arith.constant 0 : i32
    %parallel_loop3A_5 = arith.constant 512 : i32
    %parallel_loop3A_6 = arith.constant 16 : i32
    scf.for %parallel_loop3A_15 = %parallel_loop3A to %parallel_loop3A_5 step %parallel_loop3A_6  : i32 {
      %parallel_loop3A_16 = arith.index_cast %parallel_loop3A_15 : i32 to index
      %parallel_loop3A_17 = tpu.vector_load %arg5[%parallel_loop3A_16] {strides = array<i32>} : memref<512xi32, #tpu.memory_space<vmem>>, vector<16xi32>,
      %parallel_loop3A_18 = arith.constant 0 : i32
      %parallel_loop3A_19 = vector.broadcast %parallel_loop3A_18 : i32 to vector<16xi32>
      %parallel_loop3A_20 = arith.addi %parallel_loop3A_17, %parallel_loop3A_19 : vector<16xi32>
      %parallel_loop3A_21 = tpu.vector_load_idx %arg6[%parallel_loop3A_20] : memref<2048xf32, #tpu.memory_space<vmem>>[vector<16xi32>], vector<16xf32>,
      %parallel_loop3A_22 = arith.constant 0 : i32
      %parallel_loop3A_23 = arith.index_cast %parallel_loop3A_22 : i32 to index
      %parallel_loop3A_24 = arith.index_cast %parallel_loop3A_15 : i32 to index
      %parallel_loop3A_25 = tpu.vector_load %arg7[%parallel_loop3A_23, %parallel_loop3A_24] {strides = array<i32>} : memref<32x512xf32, #tpu.memory_space<vmem>>, vector<16xf32>,
      tpu.vector_store %arg7[%parallel_loop3A_23, %parallel_loop3A_24], %parallel_loop3A_21 {strides = array<i32>} : memref<32x512xf32, #tpu.memory_space<vmem>>, vector<16xf32>,
      %parallel_loop3A_26 = arith.constant 64 : i32
      %parallel_loop3A_27 = vector.broadcast %parallel_loop3A_26 : i32 to vector<16xi32>
      %parallel_loop3A_28 = arith.addi %parallel_loop3A_17, %parallel_loop3A_27 : vector<16xi32>
      %parallel_loop3A_29 = tpu.vector_load_idx %arg6[%parallel_loop3A_28] : memref<2048xf32, #tpu.memory_space<vmem>>[vector<16xi32>], vector<16xf32>,
      %parallel_loop3A_30 = arith.constant 1 : i32
      %parallel_loop3A_31 = arith.index_cast %parallel_loop3A_30 : i32 to index
      %parallel_loop3A_32 = arith.index_cast %parallel_loop3A_15 : i32 to index
      %parallel_loop3A_33 = tpu.vector_load %arg7[%parallel_loop3A_31, %parallel_loop3A_32] {strides = array<i32>} : memref<32x512xf32, #tpu.memory_space<vmem>>, vector<16xf32>,
      tpu.vector_store %arg7[%parallel_loop3A_31, %parallel_loop3A_32], %parallel_loop3A_29 {strides = array<i32>} : memref<32x512xf32, #tpu.memory_space<vmem>>, vector<16xf32>,
      %parallel_loop3A_34 = arith.constant 128 : i32
      %parallel_loop3A_35 = vector.broadcast %parallel_loop3A_34 : i32 to vector<16xi32>
      %parallel_loop3A_36 = arith.addi %parallel_loop3A_17, %parallel_loop3A_35 : vector<16xi32>
      %parallel_loop3A_37 = tpu.vector_load_idx %arg6[%parallel_loop3A_36] : memref<2048xf32, #tpu.memory_space<vmem>>[vector<16xi32>], vector<16xf32>,
      %parallel_loop3A_38 = arith.constant 2 : i32
      %parallel_loop3A_39 = arith.index_cast %parallel_loop3A_38 : i32 to index
      %parallel_loop3A_40 = arith.index_cast %parallel_loop3A_15 : i32 to index
      %parallel_loop3A_41 = tpu.vector_load %arg7[%parallel_loop3A_39, %parallel_loop3A_40] {strides = array<i32>} : memref<32x512xf32, #tpu.memory_space<vmem>>, vector<16xf32>,
      tpu.vector_store %arg7[%parallel_loop3A_39, %parallel_loop3A_40], %parallel_loop3A_37 {strides = array<i32>} : memref<32x512xf32, #tpu.memory_space<vmem>>, vector<16xf32>,
      %parallel_loop3A_42 = arith.constant 192 : i32
      %parallel_loop3A_43 = vector.broadcast %parallel_loop3A_42 : i32 to vector<16xi32>
      %parallel_loop3A_44 = arith.addi %parallel_loop3A_17, %parallel_loop3A_43 : vector<16xi32>
      %parallel_loop3A_45 = tpu.vector_load_idx %arg6[%parallel_loop3A_44] : memref<2048xf32, #tpu.memory_space<vmem>>[vector<16xi32>], vector<16xf32>,
      %parallel_loop3A_46 = arith.constant 3 : i32
      %parallel_loop3A_47 = arith.index_cast %parallel_loop3A_46 : i32 to index
      %parallel_loop3A_48 = arith.index_cast %parallel_loop3A_15 : i32 to index
      %parallel_loop3A_49 = tpu.vector_load %arg7[%parallel_loop3A_47, %parallel_loop3A_48] {strides = array<i32>} : memref<32x512xf32, #tpu.memory_space<vmem>>, vector<16xf32>,
      tpu.vector_store %arg7[%parallel_loop3A_47, %parallel_loop3A_48], %parallel_loop3A_45 {strides = array<i32>} : memref<32x512xf32, #tpu.memory_space<vmem>>, vector<16xf32>,
      %parallel_loop3A_50 = arith.constant 256 : i32
      %parallel_loop3A_51 = vector.broadcast %parallel_loop3A_50 : i32 to vector<16xi32>
      %parallel_loop3A_52 = arith.addi %parallel_loop3A_17, %parallel_loop3A_51 : vector<16xi32>
      %parallel_loop3A_53 = tpu.vector_load_idx %arg6[%parallel_loop3A_52] : memref<2048xf32, #tpu.memory_space<vmem>>[vector<16xi32>], vector<16xf32>,
      %parallel_loop3A_54 = arith.constant 4 : i32
      %parallel_loop3A_55 = arith.index_cast %parallel_loop3A_54 : i32 to index
      %parallel_loop3A_56 = arith.index_cast %parallel_loop3A_15 : i32 to index
      %parallel_loop3A_57 = tpu.vector_load %arg7[%parallel_loop3A_55, %parallel_loop3A_56] {strides = array<i32>} : memref<32x512xf32, #tpu.memory_space<vmem>>, vector<16xf32>,
      tpu.vector_store %arg7[%parallel_loop3A_55, %parallel_loop3A_56], %parallel_loop3A_53 {strides = array<i32>} : memref<32x512xf32, #tpu.memory_space<vmem>>, vector<16xf32>,
      %parallel_loop3A_58 = arith.constant 320 : i32
      %parallel_loop3A_59 = vector.broadcast %parallel_loop3A_58 : i32 to vector<16xi32>
      %parallel_loop3A_60 = arith.addi %parallel_loop3A_17, %parallel_loop3A_59 : vector<16xi32>
      %parallel_loop3A_61 = tpu.vector_load_idx %arg6[%parallel_loop3A_60] : memref<2048xf32, #tpu.memory_space<vmem>>[vector<16xi32>], vector<16xf32>,
      %parallel_loop3A_62 = arith.constant 5 : i32
      %parallel_loop3A_63 = arith.index_cast %parallel_loop3A_62 : i32 to index
      %parallel_loop3A_64 = arith.index_cast %parallel_loop3A_15 : i32 to index
      %parallel_loop3A_65 = tpu.vector_load %arg7[%parallel_loop3A_63, %parallel_loop3A_64] {strides = array<i32>} : memref<32x512xf32, #tpu.memory_space<vmem>>, vector<16xf32>,
      tpu.vector_store %arg7[%parallel_loop3A_63, %parallel_loop3A_64], %parallel_loop3A_61 {strides = array<i32>} : memref<32x512xf32, #tpu.memory_space<vmem>>, vector<16xf32>,
      %parallel_loop3A_66 = arith.constant 384 : i32
      %parallel_loop3A_67 = vector.broadcast %parallel_loop3A_66 : i32 to vector<16xi32>
      %parallel_loop3A_68 = arith.addi %parallel_loop3A_17, %parallel_loop3A_67 : vector<16xi32>
      %parallel_loop3A_69 = tpu.vector_load_idx %arg6[%parallel_loop3A_68] : memref<2048xf32, #tpu.memory_space<vmem>>[vector<16xi32>], vector<16xf32>,
      %parallel_loop3A_70 = arith.constant 6 : i32
      %parallel_loop3A_71 = arith.index_cast %parallel_loop3A_70 : i32 to index
      %parallel_loop3A_72 = arith.index_cast %parallel_loop3A_15 : i32 to index
      %parallel_loop3A_73 = tpu.vector_load %arg7[%parallel_loop3A_71, %parallel_loop3A_72] {strides = array<i32>} : memref<32x512xf32, #tpu.memory_space<vmem>>, vector<16xf32>,
      tpu.vector_store %arg7[%parallel_loop3A_71, %parallel_loop3A_72], %parallel_loop3A_69 {strides = array<i32>} : memref<32x512xf32, #tpu.memory_space<vmem>>, vector<16xf32>,
      %parallel_loop3A_74 = arith.constant 448 : i32
      %parallel_loop3A_75 = vector.broadcast %parallel_loop3A_74 : i32 to vector<16xi32>
      %parallel_loop3A_76 = arith.addi %parallel_loop3A_17, %parallel_loop3A_75 : vector<16xi32>
      %parallel_loop3A_77 = tpu.vector_load_idx %arg6[%parallel_loop3A_76] : memref<2048xf32, #tpu.memory_space<vmem>>[vector<16xi32>], vector<16xf32>,
      %parallel_loop3A_78 = arith.constant 7 : i32
      %parallel_loop3A_79 = arith.index_cast %parallel_loop3A_78 : i32 to index
      %parallel_loop3A_80 = arith.index_cast %parallel_loop3A_15 : i32 to index
      %parallel_loop3A_81 = tpu.vector_load %arg7[%parallel_loop3A_79, %parallel_loop3A_80] {strides = array<i32>} : memref<32x512xf32, #tpu.memory_space<vmem>>, vector<16xf32>,
      tpu.vector_store %arg7[%parallel_loop3A_79, %parallel_loop3A_80], %parallel_loop3A_77 {strides = array<i32>} : memref<32x512xf32, #tpu.memory_space<vmem>>, vector<16xf32>,
      %parallel_loop3A_82 = arith.constant 512 : i32
      %parallel_loop3A_83 = vector.broadcast %parallel_loop3A_82 : i32 to vector<16xi32>
      %parallel_loop3A_84 = arith.addi %parallel_loop3A_17, %parallel_loop3A_83 : vector<16xi32>
      %parallel_loop3A_85 = tpu.vector_load_idx %arg6[%parallel_loop3A_84] : memref<2048xf32, #tpu.memory_space<vmem>>[vector<16xi32>], vector<16xf32>,
      %parallel_loop3A_86 = arith.constant 8 : i32
      %parallel_loop3A_87 = arith.index_cast %parallel_loop3A_86 : i32 to index
      %parallel_loop3A_88 = arith.index_cast %parallel_loop3A_15 : i32 to index
      %parallel_loop3A_89 = tpu.vector_load %arg7[%parallel_loop3A_87, %parallel_loop3A_88] {strides = array<i32>} : memref<32x512xf32, #tpu.memory_space<vmem>>, vector<16xf32>,
      tpu.vector_store %arg7[%parallel_loop3A_87, %parallel_loop3A_88], %parallel_loop3A_85 {strides = array<i32>} : memref<32x512xf32, #tpu.memory_space<vmem>>, vector<16xf32>,
      %parallel_loop3A_90 = arith.constant 576 : i32
      %parallel_loop3A_91 = vector.broadcast %parallel_loop3A_90 : i32 to vector<16xi32>
      %parallel_loop3A_92 = arith.addi %parallel_loop3A_17, %parallel_loop3A_91 : vector<16xi32>
      %parallel_loop3A_93 = tpu.vector_load_idx %arg6[%parallel_loop3A_92] : memref<2048xf32, #tpu.memory_space<vmem>>[vector<16xi32>], vector<16xf32>,
      %parallel_loop3A_94 = arith.constant 9 : i32
      %parallel_loop3A_95 = arith.index_cast %parallel_loop3A_94 : i32 to index
      %parallel_loop3A_96 = arith.index_cast %parallel_loop3A_15 : i32 to index
      %parallel_loop3A_97 = tpu.vector_load %arg7[%parallel_loop3A_95, %parallel_loop3A_96] {strides = array<i32>} : memref<32x512xf32, #tpu.memory_space<vmem>>, vector<16xf32>,
      tpu.vector_store %arg7[%parallel_loop3A_95, %parallel_loop3A_96], %parallel_loop3A_93 {strides = array<i32>} : memref<32x512xf32, #tpu.memory_space<vmem>>, vector<16xf32>,
      %parallel_loop3A_98 = arith.constant 640 : i32
      %parallel_loop3A_99 = vector.broadcast %parallel_loop3A_98 : i32 to vector<16xi32>
      %parallel_loop3A_100 = arith.addi %parallel_loop3A_17, %parallel_loop3A_99 : vector<16xi32>
      %parallel_loop3A_101 = tpu.vector_load_idx %arg6[%parallel_loop3A_100] : memref<2048xf32, #tpu.memory_space<vmem>>[vector<16xi32>], vector<16xf32>,
      %parallel_loop3A_102 = arith.constant 10 : i32
      %parallel_loop3A_103 = arith.index_cast %parallel_loop3A_102 : i32 to index
      %parallel_loop3A_104 = arith.index_cast %parallel_loop3A_15 : i32 to index
      %parallel_loop3A_105 = tpu.vector_load %arg7[%parallel_loop3A_103, %parallel_loop3A_104] {strides = array<i32>} : memref<32x512xf32, #tpu.memory_space<vmem>>, vector<16xf32>,
      tpu.vector_store %arg7[%parallel_loop3A_103, %parallel_loop3A_104], %parallel_loop3A_101 {strides = array<i32>} : memref<32x512xf32, #tpu.memory_space<vmem>>, vector<16xf32>,
      %parallel_loop3A_106 = arith.constant 704 : i32
      %parallel_loop3A_107 = vector.broadcast %parallel_loop3A_106 : i32 to vector<16xi32>
      %parallel_loop3A_108 = arith.addi %parallel_loop3A_17, %parallel_loop3A_107 : vector<16xi32>
      %parallel_loop3A_109 = tpu.vector_load_idx %arg6[%parallel_loop3A_108] : memref<2048xf32, #tpu.memory_space<vmem>>[vector<16xi32>], vector<16xf32>,
      %parallel_loop3A_110 = arith.constant 11 : i32
      %parallel_loop3A_111 = arith.index_cast %parallel_loop3A_110 : i32 to index
      %parallel_loop3A_112 = arith.index_cast %parallel_loop3A_15 : i32 to index
      %parallel_loop3A_113 = tpu.vector_load %arg7[%parallel_loop3A_111, %parallel_loop3A_112] {strides = array<i32>} : memref<32x512xf32, #tpu.memory_space<vmem>>, vector<16xf32>,
      tpu.vector_store %arg7[%parallel_loop3A_111, %parallel_loop3A_112], %parallel_loop3A_109 {strides = array<i32>} : memref<32x512xf32, #tpu.memory_space<vmem>>, vector<16xf32>,
      %parallel_loop3A_114 = arith.constant 768 : i32
      %parallel_loop3A_115 = vector.broadcast %parallel_loop3A_114 : i32 to vector<16xi32>
      %parallel_loop3A_116 = arith.addi %parallel_loop3A_17, %parallel_loop3A_115 : vector<16xi32>
      %parallel_loop3A_117 = tpu.vector_load_idx %arg6[%parallel_loop3A_116] : memref<2048xf32, #tpu.memory_space<vmem>>[vector<16xi32>], vector<16xf32>,
      %parallel_loop3A_118 = arith.constant 12 : i32
      %parallel_loop3A_119 = arith.index_cast %parallel_loop3A_118 : i32 to index
      %parallel_loop3A_120 = arith.index_cast %parallel_loop3A_15 : i32 to index
      %parallel_loop3A_121 = tpu.vector_load %arg7[%parallel_loop3A_119, %parallel_loop3A_120] {strides = array<i32>} : memref<32x512xf32, #tpu.memory_space<vmem>>, vector<16xf32>,
      tpu.vector_store %arg7[%parallel_loop3A_119, %parallel_loop3A_120], %parallel_loop3A_117 {strides = array<i32>} : memref<32x512xf32, #tpu.memory_space<vmem>>, vector<16xf32>,
      %parallel_loop3A_122 = arith.constant 832 : i32
      %parallel_loop3A_123 = vector.broadcast %parallel_loop3A_122 : i32 to vector<16xi32>
      %parallel_loop3A_124 = arith.addi %parallel_loop3A_17, %parallel_loop3A_123 : vector<16xi32>
      %parallel_loop3A_125 = tpu.vector_load_idx %arg6[%parallel_loop3A_124] : memref<2048xf32, #tpu.memory_space<vmem>>[vector<16xi32>], vector<16xf32>,
      %parallel_loop3A_126 = arith.constant 13 : i32
      %parallel_loop3A_127 = arith.index_cast %parallel_loop3A_126 : i32 to index
      %parallel_loop3A_128 = arith.index_cast %parallel_loop3A_15 : i32 to index
      %parallel_loop3A_129 = tpu.vector_load %arg7[%parallel_loop3A_127, %parallel_loop3A_128] {strides = array<i32>} : memref<32x512xf32, #tpu.memory_space<vmem>>, vector<16xf32>,
      tpu.vector_store %arg7[%parallel_loop3A_127, %parallel_loop3A_128], %parallel_loop3A_125 {strides = array<i32>} : memref<32x512xf32, #tpu.memory_space<vmem>>, vector<16xf32>,
      %parallel_loop3A_130 = arith.constant 896 : i32
      %parallel_loop3A_131 = vector.broadcast %parallel_loop3A_130 : i32 to vector<16xi32>
      %parallel_loop3A_132 = arith.addi %parallel_loop3A_17, %parallel_loop3A_131 : vector<16xi32>
      %parallel_loop3A_133 = tpu.vector_load_idx %arg6[%parallel_loop3A_132] : memref<2048xf32, #tpu.memory_space<vmem>>[vector<16xi32>], vector<16xf32>,
      %parallel_loop3A_134 = arith.constant 14 : i32
      %parallel_loop3A_135 = arith.index_cast %parallel_loop3A_134 : i32 to index
      %parallel_loop3A_136 = arith.index_cast %parallel_loop3A_15 : i32 to index
      %parallel_loop3A_137 = tpu.vector_load %arg7[%parallel_loop3A_135, %parallel_loop3A_136] {strides = array<i32>} : memref<32x512xf32, #tpu.memory_space<vmem>>, vector<16xf32>,
      tpu.vector_store %arg7[%parallel_loop3A_135, %parallel_loop3A_136], %parallel_loop3A_133 {strides = array<i32>} : memref<32x512xf32, #tpu.memory_space<vmem>>, vector<16xf32>,
      %parallel_loop3A_138 = arith.constant 960 : i32
      %parallel_loop3A_139 = vector.broadcast %parallel_loop3A_138 : i32 to vector<16xi32>
      %parallel_loop3A_140 = arith.addi %parallel_loop3A_17, %parallel_loop3A_139 : vector<16xi32>
      %parallel_loop3A_141 = tpu.vector_load_idx %arg6[%parallel_loop3A_140] : memref<2048xf32, #tpu.memory_space<vmem>>[vector<16xi32>], vector<16xf32>,
      %parallel_loop3A_142 = arith.constant 15 : i32
      %parallel_loop3A_143 = arith.index_cast %parallel_loop3A_142 : i32 to index
      %parallel_loop3A_144 = arith.index_cast %parallel_loop3A_15 : i32 to index
      %parallel_loop3A_145 = tpu.vector_load %arg7[%parallel_loop3A_143, %parallel_loop3A_144] {strides = array<i32>} : memref<32x512xf32, #tpu.memory_space<vmem>>, vector<16xf32>,
      tpu.vector_store %arg7[%parallel_loop3A_143, %parallel_loop3A_144], %parallel_loop3A_141 {strides = array<i32>} : memref<32x512xf32, #tpu.memory_space<vmem>>, vector<16xf32>,
      %parallel_loop3A_146 = arith.constant 1024 : i32
      %parallel_loop3A_147 = vector.broadcast %parallel_loop3A_146 : i32 to vector<16xi32>
      %parallel_loop3A_148 = arith.addi %parallel_loop3A_17, %parallel_loop3A_147 : vector<16xi32>
      %parallel_loop3A_149 = tpu.vector_load_idx %arg6[%parallel_loop3A_148] : memref<2048xf32, #tpu.memory_space<vmem>>[vector<16xi32>], vector<16xf32>,
      %parallel_loop3A_150 = arith.constant 16 : i32
      %parallel_loop3A_151 = arith.index_cast %parallel_loop3A_150 : i32 to index
      %parallel_loop3A_152 = arith.index_cast %parallel_loop3A_15 : i32 to index
      %parallel_loop3A_153 = tpu.vector_load %arg7[%parallel_loop3A_151, %parallel_loop3A_152] {strides = array<i32>} : memref<32x512xf32, #tpu.memory_space<vmem>>, vector<16xf32>,
      tpu.vector_store %arg7[%parallel_loop3A_151, %parallel_loop3A_152], %parallel_loop3A_149 {strides = array<i32>} : memref<32x512xf32, #tpu.memory_space<vmem>>, vector<16xf32>,
      %parallel_loop3A_154 = arith.constant 1088 : i32
      %parallel_loop3A_155 = vector.broadcast %parallel_loop3A_154 : i32 to vector<16xi32>
      %parallel_loop3A_156 = arith.addi %parallel_loop3A_17, %parallel_loop3A_155 : vector<16xi32>
      %parallel_loop3A_157 = tpu.vector_load_idx %arg6[%parallel_loop3A_156] : memref<2048xf32, #tpu.memory_space<vmem>>[vector<16xi32>], vector<16xf32>,
      %parallel_loop3A_158 = arith.constant 17 : i32
      %parallel_loop3A_159 = arith.index_cast %parallel_loop3A_158 : i32 to index
      %parallel_loop3A_160 = arith.index_cast %parallel_loop3A_15 : i32 to index
      %parallel_loop3A_161 = tpu.vector_load %arg7[%parallel_loop3A_159, %parallel_loop3A_160] {strides = array<i32>} : memref<32x512xf32, #tpu.memory_space<vmem>>, vector<16xf32>,
      tpu.vector_store %arg7[%parallel_loop3A_159, %parallel_loop3A_160], %parallel_loop3A_157 {strides = array<i32>} : memref<32x512xf32, #tpu.memory_space<vmem>>, vector<16xf32>,
      %parallel_loop3A_162 = arith.constant 1152 : i32
      %parallel_loop3A_163 = vector.broadcast %parallel_loop3A_162 : i32 to vector<16xi32>
      %parallel_loop3A_164 = arith.addi %parallel_loop3A_17, %parallel_loop3A_163 : vector<16xi32>
      %parallel_loop3A_165 = tpu.vector_load_idx %arg6[%parallel_loop3A_164] : memref<2048xf32, #tpu.memory_space<vmem>>[vector<16xi32>], vector<16xf32>,
      %parallel_loop3A_166 = arith.constant 18 : i32
      %parallel_loop3A_167 = arith.index_cast %parallel_loop3A_166 : i32 to index
      %parallel_loop3A_168 = arith.index_cast %parallel_loop3A_15 : i32 to index
      %parallel_loop3A_169 = tpu.vector_load %arg7[%parallel_loop3A_167, %parallel_loop3A_168] {strides = array<i32>} : memref<32x512xf32, #tpu.memory_space<vmem>>, vector<16xf32>,
      tpu.vector_store %arg7[%parallel_loop3A_167, %parallel_loop3A_168], %parallel_loop3A_165 {strides = array<i32>} : memref<32x512xf32, #tpu.memory_space<vmem>>, vector<16xf32>,
      %parallel_loop3A_170 = arith.constant 1216 : i32
      %parallel_loop3A_171 = vector.broadcast %parallel_loop3A_170 : i32 to vector<16xi32>
      %parallel_loop3A_172 = arith.addi %parallel_loop3A_17, %parallel_loop3A_171 : vector<16xi32>
      %parallel_loop3A_173 = tpu.vector_load_idx %arg6[%parallel_loop3A_172] : memref<2048xf32, #tpu.memory_space<vmem>>[vector<16xi32>], vector<16xf32>,
      %parallel_loop3A_174 = arith.constant 19 : i32
      %parallel_loop3A_175 = arith.index_cast %parallel_loop3A_174 : i32 to index
      %parallel_loop3A_176 = arith.index_cast %parallel_loop3A_15 : i32 to index
      %parallel_loop3A_177 = tpu.vector_load %arg7[%parallel_loop3A_175, %parallel_loop3A_176] {strides = array<i32>} : memref<32x512xf32, #tpu.memory_space<vmem>>, vector<16xf32>,
      tpu.vector_store %arg7[%parallel_loop3A_175, %parallel_loop3A_176], %parallel_loop3A_173 {strides = array<i32>} : memref<32x512xf32, #tpu.memory_space<vmem>>, vector<16xf32>,
      %parallel_loop3A_178 = arith.constant 1280 : i32
      %parallel_loop3A_179 = vector.broadcast %parallel_loop3A_178 : i32 to vector<16xi32>
      %parallel_loop3A_180 = arith.addi %parallel_loop3A_17, %parallel_loop3A_179 : vector<16xi32>
      %parallel_loop3A_181 = tpu.vector_load_idx %arg6[%parallel_loop3A_180] : memref<2048xf32, #tpu.memory_space<vmem>>[vector<16xi32>], vector<16xf32>,
      %parallel_loop3A_182 = arith.constant 20 : i32
      %parallel_loop3A_183 = arith.index_cast %parallel_loop3A_182 : i32 to index
      %parallel_loop3A_184 = arith.index_cast %parallel_loop3A_15 : i32 to index
      %parallel_loop3A_185 = tpu.vector_load %arg7[%parallel_loop3A_183, %parallel_loop3A_184] {strides = array<i32>} : memref<32x512xf32, #tpu.memory_space<vmem>>, vector<16xf32>,
      tpu.vector_store %arg7[%parallel_loop3A_183, %parallel_loop3A_184], %parallel_loop3A_181 {strides = array<i32>} : memref<32x512xf32, #tpu.memory_space<vmem>>, vector<16xf32>,
      %parallel_loop3A_186 = arith.constant 1344 : i32
      %parallel_loop3A_187 = vector.broadcast %parallel_loop3A_186 : i32 to vector<16xi32>
      %parallel_loop3A_188 = arith.addi %parallel_loop3A_17, %parallel_loop3A_187 : vector<16xi32>
      %parallel_loop3A_189 = tpu.vector_load_idx %arg6[%parallel_loop3A_188] : memref<2048xf32, #tpu.memory_space<vmem>>[vector<16xi32>], vector<16xf32>,
      %parallel_loop3A_190 = arith.constant 21 : i32
      %parallel_loop3A_191 = arith.index_cast %parallel_loop3A_190 : i32 to index
      %parallel_loop3A_192 = arith.index_cast %parallel_loop3A_15 : i32 to index
      %parallel_loop3A_193 = tpu.vector_load %arg7[%parallel_loop3A_191, %parallel_loop3A_192] {strides = array<i32>} : memref<32x512xf32, #tpu.memory_space<vmem>>, vector<16xf32>,
      tpu.vector_store %arg7[%parallel_loop3A_191, %parallel_loop3A_192], %parallel_loop3A_189 {strides = array<i32>} : memref<32x512xf32, #tpu.memory_space<vmem>>, vector<16xf32>,
      %parallel_loop3A_194 = arith.constant 1408 : i32
      %parallel_loop3A_195 = vector.broadcast %parallel_loop3A_194 : i32 to vector<16xi32>
      %parallel_loop3A_196 = arith.addi %parallel_loop3A_17, %parallel_loop3A_195 : vector<16xi32>
      %parallel_loop3A_197 = tpu.vector_load_idx %arg6[%parallel_loop3A_196] : memref<2048xf32, #tpu.memory_space<vmem>>[vector<16xi32>], vector<16xf32>,
      %parallel_loop3A_198 = arith.constant 22 : i32
      %parallel_loop3A_199 = arith.index_cast %parallel_loop3A_198 : i32 to index
      %parallel_loop3A_200 = arith.index_cast %parallel_loop3A_15 : i32 to index
      %parallel_loop3A_201 = tpu.vector_load %arg7[%parallel_loop3A_199, %parallel_loop3A_200] {strides = array<i32>} : memref<32x512xf32, #tpu.memory_space<vmem>>, vector<16xf32>,
      tpu.vector_store %arg7[%parallel_loop3A_199, %parallel_loop3A_200], %parallel_loop3A_197 {strides = array<i32>} : memref<32x512xf32, #tpu.memory_space<vmem>>, vector<16xf32>,
      %parallel_loop3A_202 = arith.constant 1472 : i32
      %parallel_loop3A_203 = vector.broadcast %parallel_loop3A_202 : i32 to vector<16xi32>
      %parallel_loop3A_204 = arith.addi %parallel_loop3A_17, %parallel_loop3A_203 : vector<16xi32>
      %parallel_loop3A_205 = tpu.vector_load_idx %arg6[%parallel_loop3A_204] : memref<2048xf32, #tpu.memory_space<vmem>>[vector<16xi32>], vector<16xf32>,
      %parallel_loop3A_206 = arith.constant 23 : i32
      %parallel_loop3A_207 = arith.index_cast %parallel_loop3A_206 : i32 to index
      %parallel_loop3A_208 = arith.index_cast %parallel_loop3A_15 : i32 to index
      %parallel_loop3A_209 = tpu.vector_load %arg7[%parallel_loop3A_207, %parallel_loop3A_208] {strides = array<i32>} : memref<32x512xf32, #tpu.memory_space<vmem>>, vector<16xf32>,
      tpu.vector_store %arg7[%parallel_loop3A_207, %parallel_loop3A_208], %parallel_loop3A_205 {strides = array<i32>} : memref<32x512xf32, #tpu.memory_space<vmem>>, vector<16xf32>,
      %parallel_loop3A_210 = arith.constant 1536 : i32
      %parallel_loop3A_211 = vector.broadcast %parallel_loop3A_210 : i32 to vector<16xi32>
      %parallel_loop3A_212 = arith.addi %parallel_loop3A_17, %parallel_loop3A_211 : vector<16xi32>
      %parallel_loop3A_213 = tpu.vector_load_idx %arg6[%parallel_loop3A_212] : memref<2048xf32, #tpu.memory_space<vmem>>[vector<16xi32>], vector<16xf32>,
      %parallel_loop3A_214 = arith.constant 24 : i32
      %parallel_loop3A_215 = arith.index_cast %parallel_loop3A_214 : i32 to index
      %parallel_loop3A_216 = arith.index_cast %parallel_loop3A_15 : i32 to index
      %parallel_loop3A_217 = tpu.vector_load %arg7[%parallel_loop3A_215, %parallel_loop3A_216] {strides = array<i32>} : memref<32x512xf32, #tpu.memory_space<vmem>>, vector<16xf32>,
      tpu.vector_store %arg7[%parallel_loop3A_215, %parallel_loop3A_216], %parallel_loop3A_213 {strides = array<i32>} : memref<32x512xf32, #tpu.memory_space<vmem>>, vector<16xf32>,
      %parallel_loop3A_218 = arith.constant 1600 : i32
      %parallel_loop3A_219 = vector.broadcast %parallel_loop3A_218 : i32 to vector<16xi32>
      %parallel_loop3A_220 = arith.addi %parallel_loop3A_17, %parallel_loop3A_219 : vector<16xi32>
      %parallel_loop3A_221 = tpu.vector_load_idx %arg6[%parallel_loop3A_220] : memref<2048xf32, #tpu.memory_space<vmem>>[vector<16xi32>], vector<16xf32>,
      %parallel_loop3A_222 = arith.constant 25 : i32
      %parallel_loop3A_223 = arith.index_cast %parallel_loop3A_222 : i32 to index
      %parallel_loop3A_224 = arith.index_cast %parallel_loop3A_15 : i32 to index
      %parallel_loop3A_225 = tpu.vector_load %arg7[%parallel_loop3A_223, %parallel_loop3A_224] {strides = array<i32>} : memref<32x512xf32, #tpu.memory_space<vmem>>, vector<16xf32>,
      tpu.vector_store %arg7[%parallel_loop3A_223, %parallel_loop3A_224], %parallel_loop3A_221 {strides = array<i32>} : memref<32x512xf32, #tpu.memory_space<vmem>>, vector<16xf32>,
      %parallel_loop3A_226 = arith.constant 1664 : i32
      %parallel_loop3A_227 = vector.broadcast %parallel_loop3A_226 : i32 to vector<16xi32>
      %parallel_loop3A_228 = arith.addi %parallel_loop3A_17, %parallel_loop3A_227 : vector<16xi32>
      %parallel_loop3A_229 = tpu.vector_load_idx %arg6[%parallel_loop3A_228] : memref<2048xf32, #tpu.memory_space<vmem>>[vector<16xi32>], vector<16xf32>,
      %parallel_loop3A_230 = arith.constant 26 : i32
      %parallel_loop3A_231 = arith.index_cast %parallel_loop3A_230 : i32 to index
      %parallel_loop3A_232 = arith.index_cast %parallel_loop3A_15 : i32 to index
      %parallel_loop3A_233 = tpu.vector_load %arg7[%parallel_loop3A_231, %parallel_loop3A_232] {strides = array<i32>} : memref<32x512xf32, #tpu.memory_space<vmem>>, vector<16xf32>,
      tpu.vector_store %arg7[%parallel_loop3A_231, %parallel_loop3A_232], %parallel_loop3A_229 {strides = array<i32>} : memref<32x512xf32, #tpu.memory_space<vmem>>, vector<16xf32>,
      %parallel_loop3A_234 = arith.constant 1728 : i32
      %parallel_loop3A_235 = vector.broadcast %parallel_loop3A_234 : i32 to vector<16xi32>
      %parallel_loop3A_236 = arith.addi %parallel_loop3A_17, %parallel_loop3A_235 : vector<16xi32>
      %parallel_loop3A_237 = tpu.vector_load_idx %arg6[%parallel_loop3A_236] : memref<2048xf32, #tpu.memory_space<vmem>>[vector<16xi32>], vector<16xf32>,
      %parallel_loop3A_238 = arith.constant 27 : i32
      %parallel_loop3A_239 = arith.index_cast %parallel_loop3A_238 : i32 to index
      %parallel_loop3A_240 = arith.index_cast %parallel_loop3A_15 : i32 to index
      %parallel_loop3A_241 = tpu.vector_load %arg7[%parallel_loop3A_239, %parallel_loop3A_240] {strides = array<i32>} : memref<32x512xf32, #tpu.memory_space<vmem>>, vector<16xf32>,
      tpu.vector_store %arg7[%parallel_loop3A_239, %parallel_loop3A_240], %parallel_loop3A_237 {strides = array<i32>} : memref<32x512xf32, #tpu.memory_space<vmem>>, vector<16xf32>,
      %parallel_loop3A_242 = arith.constant 1792 : i32
      %parallel_loop3A_243 = vector.broadcast %parallel_loop3A_242 : i32 to vector<16xi32>
      %parallel_loop3A_244 = arith.addi %parallel_loop3A_17, %parallel_loop3A_243 : vector<16xi32>
      %parallel_loop3A_245 = tpu.vector_load_idx %arg6[%parallel_loop3A_244] : memref<2048xf32, #tpu.memory_space<vmem>>[vector<16xi32>], vector<16xf32>,
      %parallel_loop3A_246 = arith.constant 28 : i32
      %parallel_loop3A_247 = arith.index_cast %parallel_loop3A_246 : i32 to index
      %parallel_loop3A_248 = arith.index_cast %parallel_loop3A_15 : i32 to index
      %parallel_loop3A_249 = tpu.vector_load %arg7[%parallel_loop3A_247, %parallel_loop3A_248] {strides = array<i32>} : memref<32x512xf32, #tpu.memory_space<vmem>>, vector<16xf32>,
      tpu.vector_store %arg7[%parallel_loop3A_247, %parallel_loop3A_248], %parallel_loop3A_245 {strides = array<i32>} : memref<32x512xf32, #tpu.memory_space<vmem>>, vector<16xf32>,
      %parallel_loop3A_250 = arith.constant 1856 : i32
      %parallel_loop3A_251 = vector.broadcast %parallel_loop3A_250 : i32 to vector<16xi32>
      %parallel_loop3A_252 = arith.addi %parallel_loop3A_17, %parallel_loop3A_251 : vector<16xi32>
      %parallel_loop3A_253 = tpu.vector_load_idx %arg6[%parallel_loop3A_252] : memref<2048xf32, #tpu.memory_space<vmem>>[vector<16xi32>], vector<16xf32>,
      %parallel_loop3A_254 = arith.constant 29 : i32
      %parallel_loop3A_255 = arith.index_cast %parallel_loop3A_254 : i32 to index
      %parallel_loop3A_256 = arith.index_cast %parallel_loop3A_15 : i32 to index
      %parallel_loop3A_257 = tpu.vector_load %arg7[%parallel_loop3A_255, %parallel_loop3A_256] {strides = array<i32>} : memref<32x512xf32, #tpu.memory_space<vmem>>, vector<16xf32>,
      tpu.vector_store %arg7[%parallel_loop3A_255, %parallel_loop3A_256], %parallel_loop3A_253 {strides = array<i32>} : memref<32x512xf32, #tpu.memory_space<vmem>>, vector<16xf32>,
      %parallel_loop3A_258 = arith.constant 1920 : i32
      %parallel_loop3A_259 = vector.broadcast %parallel_loop3A_258 : i32 to vector<16xi32>
      %parallel_loop3A_260 = arith.addi %parallel_loop3A_17, %parallel_loop3A_259 : vector<16xi32>
      %parallel_loop3A_261 = tpu.vector_load_idx %arg6[%parallel_loop3A_260] : memref<2048xf32, #tpu.memory_space<vmem>>[vector<16xi32>], vector<16xf32>,
      %parallel_loop3A_262 = arith.constant 30 : i32
      %parallel_loop3A_263 = arith.index_cast %parallel_loop3A_262 : i32 to index
      %parallel_loop3A_264 = arith.index_cast %parallel_loop3A_15 : i32 to index
      %parallel_loop3A_265 = tpu.vector_load %arg7[%parallel_loop3A_263, %parallel_loop3A_264] {strides = array<i32>} : memref<32x512xf32, #tpu.memory_space<vmem>>, vector<16xf32>,
      tpu.vector_store %arg7[%parallel_loop3A_263, %parallel_loop3A_264], %parallel_loop3A_261 {strides = array<i32>} : memref<32x512xf32, #tpu.memory_space<vmem>>, vector<16xf32>,
      %parallel_loop3A_266 = arith.constant 1984 : i32
      %parallel_loop3A_267 = vector.broadcast %parallel_loop3A_266 : i32 to vector<16xi32>
      %parallel_loop3A_268 = arith.addi %parallel_loop3A_17, %parallel_loop3A_267 : vector<16xi32>
      %parallel_loop3A_269 = tpu.vector_load_idx %arg6[%parallel_loop3A_268] : memref<2048xf32, #tpu.memory_space<vmem>>[vector<16xi32>], vector<16xf32>,
      %parallel_loop3A_270 = arith.constant 31 : i32
      %parallel_loop3A_271 = arith.index_cast %parallel_loop3A_270 : i32 to index
      %parallel_loop3A_272 = arith.index_cast %parallel_loop3A_15 : i32 to index
      %parallel_loop3A_273 = tpu.vector_load %arg7[%parallel_loop3A_271, %parallel_loop3A_272] {strides = array<i32>} : memref<32x512xf32, #tpu.memory_space<vmem>>, vector<16xf32>,
      tpu.vector_store %arg7[%parallel_loop3A_271, %parallel_loop3A_272], %parallel_loop3A_269 {strides = array<i32>} : memref<32x512xf32, #tpu.memory_space<vmem>>, vector<16xf32>,
    } {sc.loop_unroll_factor = 1 : i64, sc.parallel_access}
    %dma_start3A_7 = arith.constant 0 : i32
    %dma_start3A_8 = tpu.memref_slice %arg4[%dma_start3A_7, %mul3A_2] : memref<32x16384xf32, #tpu.memory_space<hbm>> -> memref<32x512xf32, #tpu.memory_space<hbm>>
    %dma_start3A_9 = arith.constant 0 : i32
    %dma_start3A_10 = tpu.memref_slice %arg4[%dma_start3A_9, %mul3A_2] : memref<32x16384xf32, #tpu.memory_space<hbm>> -> memref<32x512xf32, #tpu.memory_space<hbm>>
    tpu.enqueue_dma source(%arg7 : memref<32x512xf32, #tpu.memory_space<vmem>>) target(%dma_start3A_10 : memref<32x512xf32, #tpu.memory_space<hbm>>) target_semaphore(%arg9 : memref<!tpu.dma_semaphore, #tpu.memory_space<semaphore_mem>>)
    %dma_wait3A_11 = arith.constant 0 : i32
    %dma_wait3A_12 = tpu.memref_slice %arg4[%dma_wait3A_11, %mul3A_2] : memref<32x16384xf32, #tpu.memory_space<hbm>> -> memref<32x512xf32, #tpu.memory_space<hbm>>
    %dma_wait3A_13 = arith.constant 0 : i32
    %dma_wait3A_14 = tpu.memref_slice %arg4[%dma_wait3A_13, %mul3A_2] : memref<32x16384xf32, #tpu.memory_space<hbm>> -> memref<32x512xf32, #tpu.memory_space<hbm>>
    tpu.wait_dma2 semaphore(%arg9 : memref<!tpu.dma_semaphore, #tpu.memory_space<semaphore_mem>>) src(%arg7 : memref<32x512xf32, #tpu.memory_space<vmem>>) dst(%dma_wait3A_14 : memref<32x512xf32, #tpu.memory_space<hbm>>)
    return
  }
}

</mosaic_0001>

<sc_bundles>
// kernel: kernel.3.cloned.1.call-start
scs
__scs_entry_jumppad:
0x0: {  	(pc) =	sbr.rel $0x88, $3  }
0x1: {  	(tag) =	ssettag $0x0;
	lr =	simm.s32 $0x1  }
0x2: {  	[smem:$0x3F9F] =	sst lr;
	_ =	strace $0xD0000000  }
0x3: {  	_ = 	snop  }
0x4: {  	_ = 	snop  }
0x5: {  	_ = 	snop  }
0x6: {  	_ = 	snop  }
0x7: {  	_ = 	snop  }
__scs_overlays_trampoline_lowered:
0x8: {  	[smem:$0x3FAE] =	sst s0  }
0x9: {  	[smem:$0x3FAF] =	sst s1  }
0xa: {  	[smem:$0x3FB0] =	sst s2  }
0xb: {  	[smem:$0x3FB1] =	sst s3  }
0xc: {  	[smem:$0x3FB2] =	sst s4  }
0xd: {  	[smem:$0x3FB3] =	sst s5  }
0xe: {  	[smem:$0x3FB4] =	sst s6  }
0xf: {  	[smem:$0x3FB5] =	sst s7  }
0x10: {  	[smem:$0x3FB6] =	sst s8  }
0x11: {  	[smem:$0x3FB7] =	sst s9;
	s0 =	simm.s32 @!p0 $0x0  }
0x12: {  	s1 =	sld [smem:$0x3F9D];
	s0 =	simm.s32 @p0 $0x1  }
0x13: {  	[smem:$0x3FB8] =	sst s0;
	s0 =	simm.s32 @!p1 $0x0  }
0x14: {  	s2 =	sld [smem:$0x3F9C];
	s0 =	simm.s32 @p1 $0x1  }
0x15: {  	[smem:$0x3FB9] =	sst s0;
	s0 =	simm.s32 @!p2 $0x0  }
0x16: {  	s3 =	sld [smem:$0x3FDB];
	s0 =	simm.s32 @p2 $0x1  }
0x17: {  	s4 =	simm.s32 $0x1BF5;
	[smem:$0x3FBB] =	sst s0  }
0x18: {  	s0 =	sld [smem:$0x3F9E];
	_ =	swait.ge [sflag:s4], $0x0  }
0x19: {  	s7 =	sld [smem:$0x3F9F]  }
0x1a: {  	s8 =	sadd.s32 $0xFFFFE003, lr  }
0x1b: {  	s9 =	sadd.s32 $0xFFFFFEF7, lr;
	s5 =	simm.s32 $0xFFFFFFFF;
	p2 =	slt.u32 s8, $0xFFFFF086  }
0x1c: {  	p1 =	slt.u32 s9, $0xF7A;
	s5 =	simm.s32 @!p2 $0x0  }
0x1d: {  	s5 =	simm.s32 @p1 $0x1;
	p0 =	seq.s32 s7, s2  }
0x1e: {  	s7 =	smul.u32 @!p0 $0xF7A, s2;
	p2 =	seq.s32 @!p0 s5, $0x0  }
0x1f: {  	s9 =	smul.u32 $0xF7A, s1;
	s8 =	simm.s32 @!p0 $0x1BF5;
	p2 =	por !p2, p0  }
0x20: {  	[sflag:s8] =	ssyncset.s32 @!p0 $0xFFFFF086;
	s6 =	sadd.s32 @!p0 s3, s7;
	s7 =	simm.s32 @!p0 $0x108  }
0x21: {  	s3 =	sadd.s32 s3, s9;
	s6 =	sadd.s32 @!p0 $0x88, s6;
	s7 =	simm.s32 @p2 $0x1082  }
0x22: {  	[simem:s7], [sflag:s8] =	dma.local @!p0 [hbm:s6], $0xF7A  }
0x23: {  	s9 =	sor.u32 $0xD0000000, s2;
	s6 =	simm.s32 $0x108;
	_ =	swait.ge @!p0 [sflag:s8], $0x0  }
0x24: {  	s3 =	sadd.s32 $0x88, s3;
	s6 =	simm.s32 @!p1 $0x1082;
	[sflag:s4] =	ssyncset.s32 $0xFFFFF086  }
0x25: {  	[simem:s6], [sflag:s4] =	dma.local [hbm:s3], $0xF7A  }
0x26: {  	[smem:$0x3F9F] =	sst s1;
	(tag) =	ssettag s2;
	_ =	strace s9  }
0x27: {  	s1 =	sld [smem:$0x3FAF]  }
0x28: {  	s2 =	sld [smem:$0x3FB0]  }
0x29: {  	s4 =	sld [smem:$0x3FB2]  }
0x2a: {  	p0 =	seq.s32 s5, $0x0;
	s5 =	sld [smem:$0x3FB3]  }
0x2b: {  	s6 =	sld [smem:$0x3FB4]  }
0x2c: {  	s7 =	sld [smem:$0x3FB5]  }
0x2d: {  	s3 =	simm.s32 $0x108;
	s8 =	sld [smem:$0x3FB6]  }
0x2e: {  	s3 =	simm.s32 @!p0 $0x1082;
	s9 =	sld [smem:$0x3FB7]  }
0x2f: {  	lr =	sadd.s32 s0, s3;
	s0 =	sld [smem:$0x3FAE]  }
0x30: {  	s3 =	sld [smem:$0x3FB1]  }
0x31: {  	[smem:$0x3FBA] =	sst s10  }
0x32: {  	s10 =	sld [smem:$0x3FB8];
	_ =	sdelay $0x3  }
0x33: {  	p0 =	seq.s32 s10, $0x1;
	s10 =	sld [smem:$0x3FBA];
	_ =	sdelay $0x3  }
0x34: {  	[smem:$0x3FBA] =	sst s10  }
0x35: {  	s10 =	sld [smem:$0x3FB9];
	_ =	sdelay $0x3  }
0x36: {  	p1 =	seq.s32 s10, $0x1;
	s10 =	sld [smem:$0x3FBA];
	_ =	sdelay $0x3  }
0x37: {  	[smem:$0x3FBA] =	sst s10  }
0x38: {  	s10 =	sld [smem:$0x3FBB]  }
0x39: {  	_ = 	snop;
	(pc) =	sbr.ind lr, $3  }
0x3a: {  	_ = 	snop  }
0x3b: {  	_ = 	snop  }
0x3c: {  	p2 =	seq.s32 s10, $0x1;
	s10 =	sld [smem:$0x3FBA]  }
0x3d: {  	_ =	shalt  }
0x3e: {  	_ =	shalt  }
0x3f: {  	_ =	shalt  }
0x40: {  	_ =	shalt  }
0x41: {  	_ =	shalt  }
0x42: {  	_ =	shalt  }
0x43: {  	_ =	shalt  }
0x44: {  	_ =	shalt  }
0x45: {  	_ =	shalt  }
0x46: {  	_ =	shalt  }
0x47: {  	_ =	shalt  }
0x48: {  	_ =	shalt  }
0x49: {  	_ =	shalt  }
0x4a: {  	_ =	shalt  }
0x4b: {  	_ =	shalt  }
0x4c: {  	_ =	shalt  }
0x4d: {  	_ =	shalt  }
0x4e: {  	_ =	shalt  }
0x4f: {  	_ =	shalt  }
0x50: {  	_ =	shalt  }
0x51: {  	_ =	shalt  }
0x52: {  	_ =	shalt  }
0x53: {  	_ =	shalt  }
0x54: {  	_ =	shalt  }
0x55: {  	_ =	shalt  }
0x56: {  	_ =	shalt  }
0x57: {  	_ =	shalt  }
0x58: {  	_ =	shalt  }
0x59: {  	_ =	shalt  }
0x5a: {  	_ =	shalt  }
0x5b: {  	_ =	shalt  }
0x5c: {  	_ =	shalt  }
0x5d: {  	_ =	shalt  }
0x5e: {  	_ =	shalt  }
0x5f: {  	_ =	shalt  }
0x60: {  	_ =	shalt  }
0x61: {  	_ =	shalt  }
0x62: {  	_ =	shalt  }
0x63: {  	_ =	shalt  }
0x64: {  	_ =	shalt  }
0x65: {  	_ =	shalt  }
0x66: {  	_ =	shalt  }
0x67: {  	_ =	shalt  }
0x68: {  	_ =	shalt  }
0x69: {  	_ =	shalt  }
0x6a: {  	_ =	shalt  }
0x6b: {  	_ =	shalt  }
0x6c: {  	_ =	shalt  }
0x6d: {  	_ =	shalt  }
0x6e: {  	_ =	shalt  }
0x6f: {  	_ =	shalt  }
0x70: {  	_ =	shalt  }
0x71: {  	_ =	shalt  }
0x72: {  	_ =	shalt  }
0x73: {  	_ =	shalt  }
0x74: {  	_ =	shalt  }
0x75: {  	_ =	shalt  }
0x76: {  	_ =	shalt  }
0x77: {  	_ =	shalt  }
0x78: {  	_ =	shalt  }
0x79: {  	_ =	shalt  }
0x7a: {  	_ =	shalt  }
0x7b: {  	_ =	shalt  }
0x7c: {  	_ =	shalt  }
0x7d: {  	_ =	shalt  }
0x7e: {  	_ =	shalt  }
0x7f: {  	_ =	shalt  }
0x80: {  	_ =	shalt  }
0x81: {  	_ =	shalt  }
0x82: {  	_ =	shalt  }
0x83: {  	_ =	shalt  }
0x84: {  	_ =	shalt  }
0x85: {  	_ =	shalt  }
0x86: {  	_ =	shalt  }
0x87: {  	_ =	shalt  }
.Lfunc_end0:
.L_simem_size_0:
called_computation_lowered:
.L_overlay_start_0:
0x88: {  	s2 =	sld [smem:$0x3FD9]  }
0x89: {  	s3 =	sld [smem:$0x3FFE];
	_ =	sdelay $0x1  }
0x8a: {  	s1 =	srdreg.scid  }
0x8b: {  	s0 =	sand.u32 $0x1, s1  }
0x8c: {  	s17 =	sshll.u32 s0, $0xA;
	s2 =	sadd.s32 s3, s2  }
0x8d: {  	s2 =	sadd.s32 s2, s17  }
0x8e: {  	[smem:$0x3FC6] =	sst s2  }
0x8f: {  	_ = 	snop  }
0x90: {  	s2 =	sld [smem:$0x3FC9]  }
0x91: {  	s18 =	sld [smem:$0x3FD0];
	(tm) =	ssettm $0x1  }
0x92: {  	s4 =	sld [smem:$0x3FFB];
	_ =	sdelay $0x3  }
0x93: {  	_ =	strace s4  }
0x94: {  	s4 =	sld [smem:$0x3FFC];
	_ =	sdelay $0x3  }
0x95: {  	_ =	strace s4  }
0x96: {  	s4 =	sld [smem:$0x3FFD];
	_ =	sdelay $0x3  }
0x97: {  	_ =	strace s4  }
0x98: {  	_ =	strace $0x8FFFFFFF  }
0x99: {  	s19 =	sld [smem:$0x3FDB];
	_ =	sdelay $0x1  }
0x9a: {  	s5 =	simm.s32 $_scs_section_size  }
0x9b: {  	s6 =	simm.s32 $_size__tile_overlayer_lowered;
	s7 =	simm.s32 $_tile_overlayer_lowered  }
0x9c: {  	s22 =	simm.s32 $0x1BFF;
	s21 =	sshll.u32 s7, $0x1;
	s4 =	sadd.s32 s5, s19  }
0x9d: {  	s8 =	simm.s32 $0x0;
	s20 =	sshll.u32 s6, $0x1;
	s6 =	sadd.s32 s21, s4  }
0x9e: {  	[timem:s8], [sflag:s22] =	dma.local [hbm:s6], s20  }
0x9f: {  	_ =	swait.ge [sflag:s22], s20  }
0xa0: {  	s5 =	ssub.s32 $0x0, s20;
	[sflag:s22] =	ssyncset.done $0x0  }
0xa1: {  	[sflag:s22] =	ssyncadd.s32 s5;
	_ =	sdelay $0x1  }
0xa2: {  	s23 =	simm.s32 $0x1B8B  }
0xa3: {  	_ =	swait.ge [sflag:s23], $0x1  }
0xa4: {  	[sflag:s23] =	ssyncset.done $0x0  }
0xa5: {  	s25 =	simm.s32 $0x1B8E;
	s24 =	sld [smem:$0x3FFE];
	[sflag:s23] =	ssyncadd.s32 $0xFFFFFFFF  }
0xa6: {  	s26 =	simm.s32 $execute0_lowered;
	[smem:$0x3FD2] =	sst s25  }
0xa7: {  	s6 =	sshll.u32 s26, $0x1;
	_ =	strace $0x80000046;
	[dreg:$0x1] =	wrdreg $0xFFFFFFFF  }
0xa8: {  	s28 =	simm.s32 $_size_execute0_lowered;
	s4 =	sadd.s32 s4, s6;
	[dreg:$0x0] =	wrdreg $0x0  }
0xa9: {  	s6 =	sshll.u32 s28, $0x1;
	[dreg:$0x2] =	wrdreg s4  }
0xaa: {  	[dreg:$0x3] =	wrdreg s6  }
0xab: {  	[dreg:$0x4] =	wrdreg $0xC0  }
0xac: {  	_ =	task [dreg:s8], $0x5FFFF  }
0xad: {  	[dreg:$0x1] =	wrdreg $0xFFFFFFFF  }
0xae: {  	[dreg:$0x0] =	wrdreg $0x60  }
0xaf: {  	[dreg:$0x2] =	wrdreg s2  }
0xb0: {  	[dreg:$0x3] =	wrdreg s24  }
0xb1: {  	[dreg:$0x4] =	wrdreg s18  }
0xb2: {  	[dreg:$0x5] =	wrdreg $0x9  }
0xb3: {  	_ =	task.clear_ibuf [dreg:s8], $0x6FFFF;
	_ =	strace $0x90000046  }
0xb4: {  	s29 =	simm.s32 $0x9;
	_ =	strace $0x80000048  }
0xb5: {  	_ =	swait.ge [sflag:s29], $0x1  }
0xb6: {  	[sflag:s29] =	ssyncadd.s32 $0xFFFFFFFF  }
0xb7: {  	_ =	strace $0x90000048  }
0xb8: {  	_ =	sfence  }
0xb9: {  	s30 =	sld [smem:$0x0];
	_ =	sdelay $0x2  }
0xba: {  	s31 =	sshll.u32 s1, $0xD;
	s1 =	sshrl.u32 s1, $0x2  }
0xbb: {  	s3 =	sand.u32 $0x4000, s31;
	s1 =	sadd.s32 s1, s30  }
0xbc: {  	s0 =	sor.u32 s3, s0;
	s1 =	sshll.u32 s1, $0x11  }
0xbd: {  	s0 =	sor.u32 s1, s0  }
0xbe: {  	s0 =	sadd.s32 $0x8F2B, s0  }
0xbf: {  	[sflag:s0] =	ssyncadd.remote.s32 $0x1  }
0xc0: {  	_ =	sfence.sel $0xFFFF  }
0xc1: {  	[dreg:$0x0] =	wrdreg $0xFFFFFFFF;
	(pc) =	sbr.abs _section_cstart, $3  }
0xc2: {  	[dreg:$0x1] =	wrdreg $0xFFFFFFFF  }
0xc3: {  	_ =	task.clear_ibuf [dreg:s8], $0x2FFFF;
	_ =	strace $0x9FFFFFFF  }
0xc4: {  	(tm) =	ssettm $0x7FFFFFFF  }
0xc5: {  	_ =	shalt  }
tec
execute0_lowered:
.L_overlay_start_1:
0x0: {  	(tag) =	ssettag $0x1  }
0x1: {  	s4 =	rddreg [dreg:$0x0]  }
0x2: {  	s3 =	rddreg [dreg:$0x1]  }
0x3: {  	s5 =	rddreg [dreg:$0x2];
	s2 =	srdreg.scid  }
0x4: {  	s0 =	rddreg [dreg:$0x3];
	s1 =	stileid.u32;
	s10 =	simm.s32 $0x20000  }
0x5: {  	s11 =	simm.s32 $0xA00;
	s12 =	simm.s32 $0x2;
	s13 =	simm.s32 $0x0  }
0x6: {  	s6 =	sand.u32 $0x1, s2;
	s2 =	simm.s32 $0x0;
	s7 =	sshll.u32 s1, $0xA  }
0x7: {  	s3 =	sadd.s32 $0x400, s3;
	s8 =	sshll.u32 s6, $0x9;
	[smem:$0x7FF] =	sst s2  }
0x8: {  	s6 =	ssub.s32 $0x2, s6;
	s7 =	sor.u32 s8, s7;
	_ =	strace $0x80000047  }
0x9: {  	s31 =	sshrl.u32 s6, $0x1;
	s8 =	simm.s32 $0x1;
	s9 =	sshrl.u32 s7, $0x3  }
0xa: {  	s6 =	ssub.s32 s6, s31;
	s5 =	sadd.s32 s5, s7;
	s7 =	simm.s32 $0x200  }
0xb: {  	s4 =	sadd.s32 s4, s9;
	s6 =	smax.u32 s6, $0x1;
	s9 =	simm.s32 $0x1000  }
.LBB2_1:
0xc: {  	[tilespmem:s2], [sflag:$0x1] =	stream.linear.gather [hbm4b:s4+s2], $0x200, $0x38;
	[tilespmem:$0x4A00] =	vst v63  }
0xd: {  	_ = 	snop  }
0xe: {  	[tilespmem:s7], [sflag:$0x1] =	stream.linear.gather [hbm4b:s3+s2], $0x800, $0x38;
	[tilespmem:$0x4A00] =	vst v63  }
0xf: {  	_ =	swait.ge [sflag:s8], $0x200  }
0x10: {  	[sflag:s8] =	ssyncset.done $0x0  }
0x11: {  	[sflag:s8] =	ssyncadd.s32 $0xFFFFFE00  }
0x12: {  	_ =	swait.ge [sflag:s8], $0x800  }
0x13: {  	[sflag:s8] =	ssyncset.done $0x0  }
0x14: {  	[sflag:s8] =	ssyncadd.s32 $0xFFFFF800  }
0x15: {  	v7 =	vld [tilespmem:s2+$0x0];
	_ =	sdelay $0x7  }
0x16: {  	v0 =	vld.idx.msk [tilespmem:v7+s7+$0x0], $0xffff  }
0x17: {  	v1 =	vadd.s32 $0x40, v7  }
0x18: {  	s14 =	simm.s32 $0x0  }
0x19: {  	s16 =	sand.u32 $0xC00, s2;
	s15 =	sand.u32 $0x70, s14  }
0x1a: {  	s18 =	sor.u32 s15, s16  }
0x1b: {  	[tilespmem:s18+$0xA00] =	vst v0  }
0x1c: {  	v0 =	vld.idx.msk [tilespmem:v1+s7+$0x0], $0xffff  }
0x1d: {  	v1 =	vadd.s32 $0x80, v7;
	_ =	sdelay $0x3  }
0x1e: {  	[tilespmem:s18+$0xA80] =	vst v0  }
0x1f: {  	v0 =	vld.idx.msk [tilespmem:v1+s7+$0x0], $0xffff  }
0x20: {  	v1 =	vadd.s32 $0xC0, v7;
	_ =	sdelay $0x3  }
0x21: {  	[tilespmem:s18+$0xB00] =	vst v0  }
0x22: {  	v0 =	vld.idx.msk [tilespmem:v1+s7+$0x0], $0xffff  }
0x23: {  	s30 =	simm.s32 $0x10;
	v1 =	vadd.s32 $0x100, v7  }
0x24: {  	v2 =	vld [tilespmem:s30+$0x0];
	_ =	sdelay $0x2  }
0x25: {  	[tilespmem:s18+$0xB80] =	vst v0  }
0x26: {  	v0 =	vld.idx.msk [tilespmem:v1+s7+$0x0], $0xffff  }
0x27: {  	v1 =	vadd.s32 $0x140, v7;
	_ =	sdelay $0x2  }
0x28: {  	v3 =	vld.idx.msk [tilespmem:v2+s7+$0x0], $0xffff  }
0x29: {  	[tilespmem:s18+$0xC00] =	vst v0;
	v0 =	vadd.s32 $0x40, v2  }
0x2a: {  	s31 =	simm.s32 $0x10;
	s19 =	simm.s32 $0x80;
	v1 =	vld.idx.msk [tilespmem:v1+s7+$0x0], $0xffff  }
0x2b: {  	s22 =	sand.u32 $0x70, s31;
	s17 =	sand.u32 $0xC00, s19;
	v4 =	vadd.s32 $0x180, v7  }
0x2c: {  	s16 =	sor.u32 s22, s17  }
0x2d: {  	[tilespmem:s16+$0xA00] =	vst v3  }
0x2e: {  	v0 =	vld.idx.msk [tilespmem:v0+s7+$0x0], $0xffff  }
0x2f: {  	[tilespmem:s18+$0xC80] =	vst v1;
	v1 =	vadd.s32 $0x80, v2  }
0x30: {  	v3 =	vld.idx.msk [tilespmem:v4+s7+$0x0], $0xffff  }
0x31: {  	v4 =	vadd.s32 $0x1C0, v7;
	_ =	sdelay $0x1  }
0x32: {  	[tilespmem:s16+$0xA80] =	vst v0  }
0x33: {  	v0 =	vld.idx.msk [tilespmem:v1+s7+$0x0], $0xffff  }
0x34: {  	v1 =	vadd.s32 $0xC0, v2;
	[tilespmem:s18+$0xD00] =	vst v3  }
0x35: {  	v3 =	vld.idx.msk [tilespmem:v4+s7+$0x0], $0xffff  }
0x36: {  	v4 =	vadd.s32 $0x200, v7;
	_ =	sdelay $0x1  }
0x37: {  	s14 =	sor.u32 s2, s14;
	[tilespmem:s16+$0xB00] =	vst v0  }
0x38: {  	s23 =	simm.s32 $0x20;
	s14 =	sor.u32 $0x380, s14;
	v1 =	vld.idx.msk [tilespmem:v1+s7+$0x0], $0xffff  }
0x39: {  	v0 =	vld [tilespmem:s23+$0x0];
	[tilespmem:s14+$0xA00] =	vst v3;
	v3 =	vadd.s32 $0x100, v2  }
0x3a: {  	v4 =	vld.idx.msk [tilespmem:v4+s7+$0x0], $0xffff  }
0x3b: {  	v5 =	vadd.s32 $0x240, v7;
	_ =	sdelay $0x1  }
0x3c: {  	[tilespmem:s16+$0xB80] =	vst v1  }
0x3d: {  	v1 =	vld.idx.msk [tilespmem:v3+s7+$0x0], $0xffff  }
0x3e: {  	v3 =	vadd.s32 $0x140, v2;
	[tilespmem:s18+$0x1A00] =	vst v4  }
0x3f: {  	v4 =	vld.idx.msk [tilespmem:v5+s7+$0x0], $0xffff  }
0x40: {  	v5 =	vadd.s32 $0x280, v7  }
0x41: {  	v6 =	vld.idx.msk [tilespmem:v0+s7+$0x0], $0xffff  }
0x42: {  	[tilespmem:s16+$0xC00] =	vst v1;
	v1 =	vadd.s32 $0x40, v0  }
0x43: {  	s24 =	simm.s32 $0x20;
	s20 =	simm.s32 $0x100;
	v3 =	vld.idx.msk [tilespmem:v3+s7+$0x0], $0xffff  }
0x44: {  	s25 =	sand.u32 $0x70, s24;
	s21 =	sand.u32 $0xC00, s20;
	[tilespmem:s18+$0x1A80] =	vst v4;
	v4 =	vadd.s32 $0x180, v2  }
0x45: {  	s14 =	sor.u32 s25, s21;
	v5 =	vld.idx.msk [tilespmem:v5+s7+$0x0], $0xffff  }
0x46: {  	[tilespmem:s14+$0xA00] =	vst v6;
	v6 =	vadd.s32 $0x2C0, v7  }
0x47: {  	v1 =	vld.idx.msk [tilespmem:v1+s7+$0x0], $0xffff  }
0x48: {  	[tilespmem:s16+$0xC80] =	vst v3;
	v3 =	vadd.s32 $0x80, v0  }
0x49: {  	v4 =	vld.idx.msk [tilespmem:v4+s7+$0x0], $0xffff  }
0x4a: {  	[tilespmem:s18+$0x1B00] =	vst v5;
	v5 =	vadd.s32 $0x1C0, v2  }
0x4b: {  	v6 =	vld.idx.msk [tilespmem:v6+s7+$0x0], $0xffff  }
0x4c: {  	[tilespmem:s14+$0xA80] =	vst v1;
	v1 =	vadd.s32 $0x300, v7  }
0x4d: {  	v3 =	vld.idx.msk [tilespmem:v3+s7+$0x0], $0xffff  }
0x4e: {  	[tilespmem:s16+$0xD00] =	vst v4;
	v4 =	vadd.s32 $0xC0, v0  }
0x4f: {  	v5 =	vld.idx.msk [tilespmem:v5+s7+$0x0], $0xffff  }
0x50: {  	[tilespmem:s18+$0x1B80] =	vst v6;
	v6 =	vadd.s32 $0x200, v2  }
0x51: {  	v8 =	vld.idx.msk [tilespmem:v1+s7+$0x0], $0xffff  }
0x52: {  	s15 =	sor.u32 s19, s31;
	[tilespmem:s14+$0xB00] =	vst v3;
	v3 =	vadd.s32 $0x340, v7  }
0x53: {  	s26 =	simm.s32 $0x30;
	s15 =	sor.u32 $0x380, s15;
	v4 =	vld.idx.msk [tilespmem:v4+s7+$0x0], $0xffff  }
0x54: {  	v1 =	vld [tilespmem:s26+$0x0];
	[tilespmem:s15+$0xA00] =	vst v5;
	v5 =	vadd.s32 $0x100, v0  }
0x55: {  	v6 =	vld.idx.msk [tilespmem:v6+s7+$0x0], $0xffff  }
0x56: {  	v9 =	vadd.s32 $0x240, v2;
	[tilespmem:s18+$0x1C00] =	vst v8  }
0x57: {  	v3 =	vld.idx.msk [tilespmem:v3+s7+$0x0], $0xffff  }
0x58: {  	[tilespmem:s14+$0xB80] =	vst v4;
	v4 =	vadd.s32 $0x380, v7  }
0x59: {  	v5 =	vld.idx.msk [tilespmem:v5+s7+$0x0], $0xffff  }
0x5a: {  	[tilespmem:s16+$0x1A00] =	vst v6;
	v6 =	vadd.s32 $0x140, v0  }
0x5b: {  	v8 =	vld.idx.msk [tilespmem:v9+s7+$0x0], $0xffff  }
0x5c: {  	v9 =	vld.idx.msk [tilespmem:v1+s7+$0x0], $0xffff;
	[tilespmem:s18+$0x1C80] =	vst v3;
	v3 =	vadd.s32 $0x280, v2  }
0x5d: {  	v10 =	vadd.s32 $0x40, v1;
	v4 =	vld.idx.msk [tilespmem:v4+s7+$0x0], $0xffff  }
0x5e: {  	s29 =	simm.s32 $0x30;
	s22 =	simm.s32 $0x180;
	[tilespmem:s14+$0xC00] =	vst v5;
	v5 =	vadd.s32 $0x3C0, v7  }
0x5f: {  	s31 =	sand.u32 $0xC00, s22;
	s30 =	sand.u32 $0x70, s29;
	v6 =	vld.idx.msk [tilespmem:v6+s7+$0x0], $0xffff  }
0x60: {  	s15 =	sor.u32 s30, s31;
	[tilespmem:s16+$0x1A80] =	vst v8;
	v8 =	vadd.s32 $0x180, v0  }
0x61: {  	[tilespmem:s15+$0xA00] =	vst v9;
	v3 =	vld.idx.msk [tilespmem:v3+s7+$0x0], $0xffff  }
0x62: {  	v9 =	vld.idx.msk [tilespmem:v10+s7+$0x0], $0xffff;
	[tilespmem:s18+$0x1D00] =	vst v4;
	v4 =	vadd.s32 $0x2C0, v2  }
0x63: {  	v10 =	vadd.s32 $0x80, v1;
	v5 =	vld.idx.msk [tilespmem:v5+s7+$0x0], $0xffff  }
0x64: {  	[tilespmem:s14+$0xC80] =	vst v6;
	v6 =	vadd.s32 $0x400, v7  }
0x65: {  	v8 =	vld.idx.msk [tilespmem:v8+s7+$0x0], $0xffff  }
0x66: {  	[tilespmem:s16+$0x1B00] =	vst v3;
	v3 =	vadd.s32 $0x1C0, v0  }
0x67: {  	[tilespmem:s15+$0xA80] =	vst v9;
	v4 =	vld.idx.msk [tilespmem:v4+s7+$0x0], $0xffff  }
0x68: {  	v9 =	vld.idx.msk [tilespmem:v10+s7+$0x0], $0xffff;
	[tilespmem:s18+$0x1D80] =	vst v5;
	v5 =	vadd.s32 $0x300, v2  }
0x69: {  	v10 =	vadd.s32 $0xC0, v1;
	v6 =	vld.idx.msk [tilespmem:v6+s7+$0x0], $0xffff  }
0x6a: {  	[tilespmem:s14+$0xD00] =	vst v8;
	v8 =	vadd.s32 $0x440, v7  }
0x6b: {  	v3 =	vld.idx.msk [tilespmem:v3+s7+$0x0], $0xffff  }
0x6c: {  	[tilespmem:s16+$0x1B80] =	vst v4;
	v4 =	vadd.s32 $0x200, v0  }
0x6d: {  	[tilespmem:s15+$0xB00] =	vst v9;
	v5 =	vld.idx.msk [tilespmem:v5+s7+$0x0], $0xffff  }
0x6e: {  	s17 =	sor.u32 s20, s24;
	v9 =	vld.idx.msk [tilespmem:v10+s7+$0x0], $0xffff;
	[tilespmem:s18+$0x2A00] =	vst v6;
	v6 =	vadd.s32 $0x340, v2  }
0x6f: {  	s20 =	simm.s32 $0x40;
	s17 =	sor.u32 $0x380, s17;
	v11 =	vadd.s32 $0x100, v1;
	v8 =	vld.idx.msk [tilespmem:v8+s7+$0x0], $0xffff  }
0x70: {  	v10 =	vadd.s32 $0x480, v7;
	[tilespmem:s17+$0xA00] =	vst v3;
	v3 =	vld [tilespmem:s20+$0x0]  }
0x71: {  	v4 =	vld.idx.msk [tilespmem:v4+s7+$0x0], $0xffff  }
0x72: {  	v12 =	vadd.s32 $0x240, v0;
	[tilespmem:s16+$0x1C00] =	vst v5  }
0x73: {  	[tilespmem:s15+$0xB80] =	vst v9;
	v5 =	vld.idx.msk [tilespmem:v6+s7+$0x0], $0xffff  }
0x74: {  	v6 =	vadd.s32 $0x380, v2;
	v9 =	vld.idx.msk [tilespmem:v11+s7+$0x0], $0xffff;
	[tilespmem:s18+$0x2A80] =	vst v8  }
0x75: {  	v8 =	vld.idx.msk [tilespmem:v10+s7+$0x0], $0xffff;
	v10 =	vadd.s32 $0x140, v1  }
0x76: {  	[tilespmem:s14+$0x1A00] =	vst v4;
	v4 =	vadd.s32 $0x4C0, v7  }
0x77: {  	v11 =	vld.idx.msk [tilespmem:v12+s7+$0x0], $0xffff  }
0x78: {  	[tilespmem:s16+$0x1C80] =	vst v5;
	v5 =	vadd.s32 $0x280, v0;
	v12 =	vld.idx.msk [tilespmem:v3+s7+$0x0], $0xffff  }
0x79: {  	[tilespmem:s15+$0xC00] =	vst v9;
	v9 =	vadd.s32 $0x40, v3;
	v6 =	vld.idx.msk [tilespmem:v6+s7+$0x0], $0xffff  }
0x7a: {  	s21 =	simm.s32 $0x40;
	s31 =	simm.s32 $0x200;
	[tilespmem:s18+$0x2B00] =	vst v8;
	v8 =	vadd.s32 $0x3C0, v2;
	v10 =	vld.idx.msk [tilespmem:v10+s7+$0x0], $0xffff  }
0x7b: {  	s24 =	sand.u32 $0x70, s21;
	s23 =	sand.u32 $0xC00, s31;
	v13 =	vadd.s32 $0x180, v1;
	v4 =	vld.idx.msk [tilespmem:v4+s7+$0x0], $0xffff  }
0x7c: {  	s17 =	sor.u32 s24, s23;
	[tilespmem:s14+$0x1A80] =	vst v11;
	v11 =	vadd.s32 $0x500, v7  }
0x7d: {  	v5 =	vld.idx.msk [tilespmem:v5+s7+$0x0], $0xffff;
	[tilespmem:s17+$0xA00] =	vst v12  }
0x7e: {  	[tilespmem:s16+$0x1D00] =	vst v6;
	v9 =	vld.idx.msk [tilespmem:v9+s7+$0x0], $0xffff  }
0x7f: {  	v6 =	vadd.s32 $0x2C0, v0;
	v8 =	vld.idx.msk [tilespmem:v8+s7+$0x0], $0xffff;
	[tilespmem:s15+$0xC80] =	vst v10  }
0x80: {  	[tilespmem:s18+$0x2B80] =	vst v4;
	v4 =	vadd.s32 $0x400, v2;
	v12 =	vld.idx.msk [tilespmem:v13+s7+$0x0], $0xffff  }
0x81: {  	v10 =	vld.idx.msk [tilespmem:v11+s7+$0x0], $0xffff;
	v11 =	vadd.s32 $0x80, v3  }
0x82: {  	v13 =	vadd.s32 $0x1C0, v1;
	[tilespmem:s14+$0x1B00] =	vst v5  }
0x83: {  	v5 =	vadd.s32 $0x540, v7;
	[tilespmem:s17+$0xA80] =	vst v9  }
0x84: {  	v6 =	vld.idx.msk [tilespmem:v6+s7+$0x0], $0xffff;
	[tilespmem:s16+$0x1D80] =	vst v8  }
0x85: {  	v8 =	vadd.s32 $0x300, v0;
	v9 =	vld.idx.msk [tilespmem:v4+s7+$0x0], $0xffff;
	[tilespmem:s15+$0xD00] =	vst v12  }
0x86: {  	v11 =	vld.idx.msk [tilespmem:v11+s7+$0x0], $0xffff;
	[tilespmem:s18+$0x2C00] =	vst v10;
	v10 =	vadd.s32 $0x440, v2  }
0x87: {  	v12 =	vadd.s32 $0xC0, v3;
	v13 =	vld.idx.msk [tilespmem:v13+s7+$0x0], $0xffff  }
0x88: {  	s25 =	simm.s32 $0x50;
	v14 =	vadd.s32 $0x200, v1;
	v5 =	vld.idx.msk [tilespmem:v5+s7+$0x0], $0xffff  }
0x89: {  	v4 =	vld [tilespmem:s25+$0x0];
	[tilespmem:s14+$0x1B80] =	vst v6;
	v6 =	vadd.s32 $0x580, v7  }
0x8a: {  	s19 =	sor.u32 s22, s29;
	v8 =	vld.idx.msk [tilespmem:v8+s7+$0x0], $0xffff;
	[tilespmem:s16+$0x2A00] =	vst v9  }
0x8b: {  	s19 =	sor.u32 $0x380, s19;
	v9 =	vadd.s32 $0x340, v0;
	[tilespmem:s17+$0xB00] =	vst v11;
	v10 =	vld.idx.msk [tilespmem:v10+s7+$0x0], $0xffff  }
0x8c: {  	[tilespmem:s19+$0xA00] =	vst v13;
	v11 =	vld.idx.msk [tilespmem:v12+s7+$0x0], $0xffff  }
0x8d: {  	[tilespmem:s18+$0x2C80] =	vst v5;
	v12 =	vadd.s32 $0x480, v2;
	v14 =	vld.idx.msk [tilespmem:v14+s7+$0x0], $0xffff  }
0x8e: {  	s26 =	simm.s32 $0x60;
	v13 =	vadd.s32 $0x100, v3;
	v6 =	vld.idx.msk [tilespmem:v6+s7+$0x0], $0xffff  }
0x8f: {  	v5 =	vld [tilespmem:s26+$0x0];
	[tilespmem:s14+$0x1C00] =	vst v8;
	v8 =	vadd.s32 $0x5C0, v7  }
0x90: {  	v15 =	vadd.s32 $0x240, v1;
	v9 =	vld.idx.msk [tilespmem:v9+s7+$0x0], $0xffff  }
0x91: {  	v16 =	vld.idx.msk [tilespmem:v4+s7+$0x0], $0xffff;
	[tilespmem:s16+$0x2A80] =	vst v10;
	v10 =	vadd.s32 $0x380, v0  }
0x92: {  	[tilespmem:s17+$0xB80] =	vst v11;
	v11 =	vld.idx.msk [tilespmem:v12+s7+$0x0], $0xffff  }
0x93: {  	v12 =	vld.idx.msk [tilespmem:v13+s7+$0x0], $0xffff;
	[tilespmem:s18+$0x2D00] =	vst v6;
	v6 =	vadd.s32 $0x4C0, v2  }
0x94: {  	[tilespmem:s15+$0x1A00] =	vst v14;
	v13 =	vadd.s32 $0x140, v3;
	v8 =	vld.idx.msk [tilespmem:v8+s7+$0x0], $0xffff  }
0x95: {  	v14 =	vld.idx.msk [tilespmem:v15+s7+$0x0], $0xffff;
	[tilespmem:s14+$0x1C80] =	vst v9;
	v9 =	vadd.s32 $0x600, v7  }
0x96: {  	v15 =	vadd.s32 $0x280, v1;
	v10 =	vld.idx.msk [tilespmem:v10+s7+$0x0], $0xffff  }
0x97: {  	v18 =	vld.idx.msk [tilespmem:v5+s7+$0x0], $0xffff;
	[tilespmem:s16+$0x2B00] =	vst v11;
	v11 =	vadd.s32 $0x3C0, v0  }
0x98: {  	[tilespmem:s17+$0xC00] =	vst v12;
	v6 =	vld.idx.msk [tilespmem:v6+s7+$0x0], $0xffff;
	v12 =	vadd.s32 $0x40, v4  }
0x99: {  	s24 =	simm.s32 $0x50;
	s25 =	simm.s32 $0x280;
	v13 =	vld.idx.msk [tilespmem:v13+s7+$0x0], $0xffff;
	[tilespmem:s18+$0x2D80] =	vst v8;
	v8 =	vadd.s32 $0x500, v2  }
0x9a: {  	s29 =	sand.u32 $0x70, s24;
	s30 =	sand.u32 $0xC00, s25;
	[tilespmem:s15+$0x1A80] =	vst v14;
	v14 =	vadd.s32 $0x180, v3;
	v9 =	vld.idx.msk [tilespmem:v9+s7+$0x0], $0xffff  }
0x9b: {  	s19 =	sor.u32 s29, s30;
	v15 =	vld.idx.msk [tilespmem:v15+s7+$0x0], $0xffff;
	[tilespmem:s14+$0x1D00] =	vst v10;
	v10 =	vadd.s32 $0x640, v7  }
0x9c: {  	[tilespmem:s19+$0xA00] =	vst v16;
	v16 =	vadd.s32 $0x2C0, v1;
	v11 =	vld.idx.msk [tilespmem:v11+s7+$0x0], $0xffff  }
0x9d: {  	v12 =	vld.idx.msk [tilespmem:v12+s7+$0x0], $0xffff;
	[tilespmem:s16+$0x2B80] =	vst v6;
	v6 =	vadd.s32 $0x400, v0  }
0x9e: {  	[tilespmem:s17+$0xC80] =	vst v13;
	v8 =	vld.idx.msk [tilespmem:v8+s7+$0x0], $0xffff;
	v13 =	vadd.s32 $0x80, v4  }
0x9f: {  	v14 =	vld.idx.msk [tilespmem:v14+s7+$0x0], $0xffff;
	[tilespmem:s18+$0x3A00] =	vst v9;
	v9 =	vadd.s32 $0x540, v2  }
0xa0: {  	[tilespmem:s15+$0x1B00] =	vst v15;
	v15 =	vadd.s32 $0x1C0, v3;
	v10 =	vld.idx.msk [tilespmem:v10+s7+$0x0], $0xffff  }
0xa1: {  	v16 =	vld.idx.msk [tilespmem:v16+s7+$0x0], $0xffff;
	[tilespmem:s14+$0x1D80] =	vst v11;
	v11 =	vadd.s32 $0x680, v7  }
0xa2: {  	[tilespmem:s19+$0xA80] =	vst v12;
	v12 =	vadd.s32 $0x300, v1;
	v6 =	vld.idx.msk [tilespmem:v6+s7+$0x0], $0xffff  }
0xa3: {  	v13 =	vld.idx.msk [tilespmem:v13+s7+$0x0], $0xffff;
	[tilespmem:s16+$0x2C00] =	vst v8;
	v8 =	vadd.s32 $0x440, v0  }
0xa4: {  	[tilespmem:s17+$0xD00] =	vst v14;
	v9 =	vld.idx.msk [tilespmem:v9+s7+$0x0], $0xffff;
	v14 =	vadd.s32 $0xC0, v4  }
0xa5: {  	v15 =	vld.idx.msk [tilespmem:v15+s7+$0x0], $0xffff;
	[tilespmem:s18+$0x3A80] =	vst v10;
	v10 =	vadd.s32 $0x580, v2  }
0xa6: {  	[tilespmem:s15+$0x1B80] =	vst v16;
	v16 =	vadd.s32 $0x200, v3;
	v11 =	vld.idx.msk [tilespmem:v11+s7+$0x0], $0xffff  }
0xa7: {  	v12 =	vld.idx.msk [tilespmem:v12+s7+$0x0], $0xffff;
	[tilespmem:s14+$0x2A00] =	vst v6;
	v6 =	vadd.s32 $0x6C0, v7  }
0xa8: {  	s20 =	sor.u32 s31, s21;
	[tilespmem:s19+$0xB00] =	vst v13;
	v8 =	vld.idx.msk [tilespmem:v8+s7+$0x0], $0xffff  }
0xa9: {  	s20 =	sor.u32 $0x380, s20;
	v19 =	vadd.s32 $0x40, v5;
	v14 =	vld.idx.msk [tilespmem:v14+s7+$0x0], $0xffff;
	[tilespmem:s16+$0x2C80] =	vst v9  }
0xaa: {  	s22 =	simm.s32 $0x60;
	s23 =	simm.s32 $0x300;
	v13 =	vadd.s32 $0x340, v1;
	[tilespmem:s20+$0xA00] =	vst v15;
	v10 =	vld.idx.msk [tilespmem:v10+s7+$0x0], $0xffff  }
0xab: {  	s31 =	sand.u32 $0x70, s22;
	s26 =	sand.u32 $0xC00, s23;
	v9 =	vadd.s32 $0x480, v0;
	v16 =	vld.idx.msk [tilespmem:v16+s7+$0x0], $0xffff;
	[tilespmem:s18+$0x3B00] =	vst v11  }
0xac: {  	s21 =	simm.s32 $0x70;
	v15 =	vadd.s32 $0x100, v4;
	s20 =	sor.u32 s31, s26;
	[tilespmem:s15+$0x1C00] =	vst v12;
	v12 =	vld.idx.msk [tilespmem:v6+s7+$0x0], $0xffff  }
0xad: {  	v11 =	vadd.s32 $0x5C0, v2;
	[tilespmem:s20+$0xA00] =	vst v18;
	v6 =	vld [tilespmem:s21+$0x0]  }
0xae: {  	v17 =	vadd.s32 $0x240, v3;
	v18 =	vld.idx.msk [tilespmem:v19+s7+$0x0], $0xffff  }
0xaf: {  	v13 =	vld.idx.msk [tilespmem:v13+s7+$0x0], $0xffff;
	[tilespmem:s14+$0x2A80] =	vst v8;
	v8 =	vadd.s32 $0x700, v7  }
0xb0: {  	v19 =	vadd.s32 $0x80, v5;
	[tilespmem:s19+$0xB80] =	vst v14;
	v9 =	vld.idx.msk [tilespmem:v9+s7+$0x0], $0xffff  }
0xb1: {  	v14 =	vadd.s32 $0x380, v1;
	v15 =	vld.idx.msk [tilespmem:v15+s7+$0x0], $0xffff;
	[tilespmem:s16+$0x2D00] =	vst v10  }
0xb2: {  	v10 =	vadd.s32 $0x4C0, v0;
	[tilespmem:s17+$0x1A00] =	vst v16;
	v11 =	vld.idx.msk [tilespmem:v11+s7+$0x0], $0xffff  }
0xb3: {  	v16 =	vadd.s32 $0x140, v4;
	v17 =	vld.idx.msk [tilespmem:v17+s7+$0x0], $0xffff;
	[tilespmem:s18+$0x3B80] =	vst v12  }
0xb4: {  	v12 =	vadd.s32 $0x600, v2;
	[tilespmem:s20+$0xA80] =	vst v18;
	v8 =	vld.idx.msk [tilespmem:v8+s7+$0x0], $0xffff  }
0xb5: {  	[tilespmem:s15+$0x1C80] =	vst v13;
	v13 =	vadd.s32 $0x280, v3;
	v18 =	vld.idx.msk [tilespmem:v19+s7+$0x0], $0xffff  }
0xb6: {  	v14 =	vld.idx.msk [tilespmem:v14+s7+$0x0], $0xffff;
	[tilespmem:s14+$0x2B00] =	vst v9;
	v9 =	vadd.s32 $0x740, v7  }
0xb7: {  	[tilespmem:s19+$0xC00] =	vst v15;
	v15 =	vadd.s32 $0x3C0, v1;
	v10 =	vld.idx.msk [tilespmem:v10+s7+$0x0], $0xffff  }
0xb8: {  	v16 =	vld.idx.msk [tilespmem:v16+s7+$0x0], $0xffff;
	[tilespmem:s16+$0x2D80] =	vst v11;
	v11 =	vadd.s32 $0x500, v0  }
0xb9: {  	[tilespmem:s17+$0x1A80] =	vst v17;
	v12 =	vld.idx.msk [tilespmem:v12+s7+$0x0], $0xffff;
	v17 =	vadd.s32 $0x180, v4  }
0xba: {  	v13 =	vld.idx.msk [tilespmem:v13+s7+$0x0], $0xffff;
	[tilespmem:s18+$0x3C00] =	vst v8;
	v8 =	vadd.s32 $0x640, v2  }
0xbb: {  	[tilespmem:s15+$0x1D00] =	vst v14;
	v9 =	vld.idx.msk [tilespmem:v9+s7+$0x0], $0xffff;
	v14 =	vadd.s32 $0x2C0, v3  }
0xbc: {  	v15 =	vld.idx.msk [tilespmem:v15+s7+$0x0], $0xffff;
	[tilespmem:s14+$0x2B80] =	vst v10;
	v10 =	vadd.s32 $0x780, v7  }
0xbd: {  	[tilespmem:s19+$0xC80] =	vst v16;
	v16 =	vadd.s32 $0x400, v1;
	v11 =	vld.idx.msk [tilespmem:v11+s7+$0x0], $0xffff  }
0xbe: {  	v17 =	vld.idx.msk [tilespmem:v17+s7+$0x0], $0xffff;
	[tilespmem:s16+$0x3A00] =	vst v12;
	v12 =	vadd.s32 $0x540, v0  }
0xbf: {  	[tilespmem:s17+$0x1B00] =	vst v13;
	v8 =	vld.idx.msk [tilespmem:v8+s7+$0x0], $0xffff;
	v13 =	vadd.s32 $0x1C0, v4  }
0xc0: {  	v14 =	vld.idx.msk [tilespmem:v14+s7+$0x0], $0xffff;
	[tilespmem:s18+$0x3C80] =	vst v9;
	v9 =	vadd.s32 $0x680, v2  }
0xc1: {  	[tilespmem:s15+$0x1D80] =	vst v15;
	v10 =	vld.idx.msk [tilespmem:v10+s7+$0x0], $0xffff;
	v15 =	vadd.s32 $0x300, v3  }
0xc2: {  	v7 =	vadd.s32 $0x7C0, v7;
	v16 =	vld.idx.msk [tilespmem:v16+s7+$0x0], $0xffff;
	[tilespmem:s14+$0x2C00] =	vst v11  }
0xc3: {  	v11 =	vadd.s32 $0x440, v1;
	[tilespmem:s19+$0xD00] =	vst v17;
	v12 =	vld.idx.msk [tilespmem:v12+s7+$0x0], $0xffff  }
0xc4: {  	v17 =	vadd.s32 $0xC0, v5;
	v13 =	vld.idx.msk [tilespmem:v13+s7+$0x0], $0xffff;
	[tilespmem:s16+$0x3A80] =	vst v8  }
0xc5: {  	v8 =	vadd.s32 $0x580, v0;
	[tilespmem:s17+$0x1B80] =	vst v14;
	v19 =	vld.idx.msk [tilespmem:v9+s7+$0x0], $0xffff  }
0xc6: {  	v20 =	vadd.s32 $0x200, v4;
	v21 =	vld.idx.msk [tilespmem:v15+s7+$0x0], $0xffff;
	[tilespmem:s18+$0x3D00] =	vst v10  }
0xc7: {  	v22 =	vadd.s32 $0x6C0, v2;
	[tilespmem:s15+$0x2A00] =	vst v16;
	v14 =	vld.idx.msk [tilespmem:v7+s7+$0x0], $0xffff  }
0xc8: {  	s24 =	sor.u32 s25, s24;
	[tilespmem:s20+$0xB00] =	vst v18;
	v16 =	vadd.s32 $0x340, v3;
	v11 =	vld.idx.msk [tilespmem:v11+s7+$0x0], $0xffff  }
0xc9: {  	s24 =	sor.u32 $0x380, s24;
	v18 =	vld.idx.msk [tilespmem:v17+s7+$0x0], $0xffff;
	[tilespmem:s14+$0x2C80] =	vst v12  }
0xca: {  	v15 =	vadd.s32 $0x480, v1;
	[tilespmem:s24+$0xA00] =	vst v13;
	v13 =	vld.idx.msk [tilespmem:v8+s7+$0x0], $0xffff  }
0xcb: {  	s26 =	simm.s32 $0x70;
	v9 =	vadd.s32 $0x240, v4;
	v17 =	vld.idx.msk [tilespmem:v20+s7+$0x0], $0xffff;
	[tilespmem:s16+$0x3B00] =	vst v19;
	v19 =	vadd.s32 $0x100, v5  }
0xcc: {  	s25 =	simm.s32 $0x300;
	s28 =	sand.u32 $0x70, s26;
	v10 =	vadd.s32 $0x5C0, v0;
	v7 =	vadd.s32 $0x240, v5;
	v8 =	vadd.s32 $0x240, v6;
	s24 =	simm.s32 $0x70;
	[tilespmem:s17+$0x1C00] =	vst v21;
	v12 =	vld.idx.msk [tilespmem:v22+s7+$0x0], $0xffff  }
.LBB2_2:
0xcd: {  	s26 =	sadd.s32 $0x10, s26;
	s21 =	sadd.s32 $0x10, s21;
	v16 =	vld.idx.msk [tilespmem:v16+s7+$0x0], $0xffff;
	[tilespmem:s18+$0x3D80] =	vst v14;
	s18 =	smov.u32 s16  }
0xce: {  	s16 =	smov.u32 s14;
	s29 =	sand.u32 $0x70, s26;
	v14 =	vld [tilespmem:s21+$0x0];
	p0 =	slt.u32 s26, $0x1F0;
	[tilespmem:s15+$0x2A80] =	vst v11;
	v11 =	vadd.s32 $0x700, v2  }
0xcf: {  	s14 =	smov.u32 s15;
	s15 =	smov.u32 s17;
	s17 =	smov.u32 s19;
	[tilespmem:s20+$0xB80] =	vst v18;
	v18 =	vadd.s32 $0x380, v3;
	v15 =	vld.idx.msk [tilespmem:v15+s7+$0x0], $0xffff  }
0xd0: {  	s19 =	smov.u32 s20;
	v19 =	vld.idx.msk [tilespmem:v19+s7+$0x0], $0xffff;
	[tilespmem:s16+$0x2D00] =	vst v13  }
0xd1: {  	v13 =	vadd.s32 $0x4C0, v1;
	[tilespmem:s17+$0x1A00] =	vst v17;
	v10 =	vld.idx.msk [tilespmem:v10+s7+$0x0], $0xffff  }
0xd2: {  	v17 =	vadd.s32 $0x140, v5;
	v20 =	vld.idx.msk [tilespmem:v9+s7+$0x0], $0xffff;
	[tilespmem:s18+$0x3B80] =	vst v12;
	v9 =	vmov v7;
	v7 =	vmov v8  }
0xd3: {  	v12 =	vadd.s32 $0x600, v0;
	v8 =	vadd.s32 $0x240, v14;
	[tilespmem:s15+$0x1C80] =	vst v16;
	v11 =	vld.idx.msk [tilespmem:v11+s7+$0x0], $0xffff  }
0xd4: {  	v16 =	vadd.s32 $0x280, v4;
	v18 =	vld.idx.msk [tilespmem:v18+s7+$0x0], $0xffff  }
0xd5: {  	v21 =	vld.idx.msk [tilespmem:v6+s7+$0x0], $0xffff;
	[tilespmem:s14+$0x2B00] =	vst v15;
	v15 =	vadd.s32 $0x740, v2  }
0xd6: {  	[tilespmem:s19+$0xC00] =	vst v19;
	v19 =	vadd.s32 $0x3C0, v3;
	v13 =	vld.idx.msk [tilespmem:v13+s7+$0x0], $0xffff  }
0xd7: {  	v22 =	vadd.s32 $0x40, v6;
	v17 =	vld.idx.msk [tilespmem:v17+s7+$0x0], $0xffff;
	[tilespmem:s16+$0x2D80] =	vst v10  }
0xd8: {  	s23 =	sadd.s32 $0x80, s23;
	v10 =	vadd.s32 $0x500, v1;
	[tilespmem:s17+$0x1A80] =	vst v20;
	v12 =	vld.idx.msk [tilespmem:v12+s7+$0x0], $0xffff  }
0xd9: {  	s20 =	sand.u32 $0xC00, s23;
	v20 =	vadd.s32 $0x180, v5;
	v16 =	vld.idx.msk [tilespmem:v16+s7+$0x0], $0xffff;
	[tilespmem:s18+$0x3C00] =	vst v11  }
0xda: {  	s20 =	sor.u32 s28, s20;
	s28 =	smov.u32 s29;
	v11 =	vadd.s32 $0x640, v0;
	[tilespmem:s15+$0x1D00] =	vst v18;
	v15 =	vld.idx.msk [tilespmem:v15+s7+$0x0], $0xffff  }
0xdb: {  	v18 =	vadd.s32 $0x2C0, v4;
	[tilespmem:s20+$0xA00] =	vst v21;
	v19 =	vld.idx.msk [tilespmem:v19+s7+$0x0], $0xffff  }
0xdc: {  	v21 =	vld.idx.msk [tilespmem:v22+s7+$0x0], $0xffff;
	[tilespmem:s14+$0x2B80] =	vst v13;
	v13 =	vadd.s32 $0x780, v2  }
0xdd: {  	[tilespmem:s19+$0xC80] =	vst v17;
	v17 =	vadd.s32 $0x400, v3;
	v10 =	vld.idx.msk [tilespmem:v10+s7+$0x0], $0xffff  }
0xde: {  	v22 =	vadd.s32 $0x80, v6;
	v20 =	vld.idx.msk [tilespmem:v20+s7+$0x0], $0xffff;
	[tilespmem:s16+$0x3A00] =	vst v12  }
0xdf: {  	v12 =	vadd.s32 $0x540, v1;
	[tilespmem:s17+$0x1B00] =	vst v16;
	v11 =	vld.idx.msk [tilespmem:v11+s7+$0x0], $0xffff  }
0xe0: {  	v16 =	vadd.s32 $0x1C0, v5;
	v18 =	vld.idx.msk [tilespmem:v18+s7+$0x0], $0xffff;
	[tilespmem:s18+$0x3C80] =	vst v15  }
0xe1: {  	v15 =	vadd.s32 $0x680, v0;
	[tilespmem:s15+$0x1D80] =	vst v19;
	v13 =	vld.idx.msk [tilespmem:v13+s7+$0x0], $0xffff  }
0xe2: {  	v19 =	vadd.s32 $0x300, v4;
	[tilespmem:s20+$0xA80] =	vst v21;
	v17 =	vld.idx.msk [tilespmem:v17+s7+$0x0], $0xffff  }
0xe3: {  	v21 =	vld.idx.msk [tilespmem:v22+s7+$0x0], $0xffff;
	[tilespmem:s14+$0x2C00] =	vst v10;
	v10 =	vadd.s32 $0x7C0, v2;
	v2 =	vmovc v0;
	v0 =	vmovc v1;
	v1 =	vmov v3;
	v3 =	vmov v4  }
0xe4: {  	v4 =	vmovc v5;
	v5 =	vmov v6;
	v6 =	vmov v14;
	[tilespmem:s19+$0xD00] =	vst v20;
	v20 =	vadd.s32 $0x440, v1;
	v12 =	vld.idx.msk [tilespmem:v12+s7+$0x0], $0xffff  }
0xe5: {  	v22 =	vadd.s32 $0xC0, v5;
	v23 =	vld.idx.msk [tilespmem:v16+s7+$0x0], $0xffff;
	[tilespmem:s16+$0x3A80] =	vst v11  }
0xe6: {  	v24 =	vadd.s32 $0x580, v0;
	[tilespmem:s17+$0x1B80] =	vst v18;
	v25 =	vld.idx.msk [tilespmem:v15+s7+$0x0], $0xffff  }
0xe7: {  	v26 =	vadd.s32 $0x200, v4;
	v27 =	vld.idx.msk [tilespmem:v19+s7+$0x0], $0xffff;
	[tilespmem:s18+$0x3D00] =	vst v13  }
0xe8: {  	v28 =	vadd.s32 $0x6C0, v2;
	[tilespmem:s15+$0x2A00] =	vst v17;
	v14 =	vld.idx.msk [tilespmem:v10+s7+$0x0], $0xffff  }
.Ltmp0:
0xe9: {  	s25 =	sor.u32 s25, s22;
	s22 =	smov.u32 s24;
	v16 =	vadd.s32 $0x340, v3;
	[tilespmem:s20+$0xB00] =	vst v21;
	v11 =	vld.idx.msk [tilespmem:v20+s7+$0x0], $0xffff;
	(pc) =	sbr.rel @p0 .LBB2_2-.Ltmp0, $4  }
0xea: {  	s24 =	smov.u32 s26;
	s29 =	sor.u32 $0x380, s25;
	s25 =	smov.u32 s23;
	v18 =	vld.idx.msk [tilespmem:v22+s7+$0x0], $0xffff;
	[tilespmem:s14+$0x2C80] =	vst v12  }
0xeb: {  	v15 =	vadd.s32 $0x480, v1;
	[tilespmem:s29+$0xA00] =	vst v23;
	v13 =	vld.idx.msk [tilespmem:v24+s7+$0x0], $0xffff  }
0xec: {  	v19 =	vadd.s32 $0x100, v5;
	v17 =	vld.idx.msk [tilespmem:v26+s7+$0x0], $0xffff;
	[tilespmem:s16+$0x3B00] =	vst v25  }
0xed: {  	v10 =	vadd.s32 $0x5C0, v0;
	[tilespmem:s17+$0x1C00] =	vst v27;
	v12 =	vld.idx.msk [tilespmem:v28+s7+$0x0], $0xffff  }
0xee: {  	_ =	sdelay $0x3  }
0xef: {  	v20 =	vld.idx.msk [tilespmem:v6+s7+$0x0], $0xffff  }
0xf0: {  	v21 =	vadd.s32 $0x40, v6  }
0xf1: {  	s23 =	sadd.s32 $0x80, s23  }
0xf2: {  	s21 =	sand.u32 $0xC00, s23  }
0xf3: {  	s21 =	sor.u32 s28, s21  }
0xf4: {  	[tilespmem:s21+$0xA00] =	vst v20  }
0xf5: {  	v20 =	vld.idx.msk [tilespmem:v21+s7+$0x0], $0xffff  }
0xf6: {  	v54 =	vadd.s32 $0x80, v6;
	_ =	sdelay $0x3  }
0xf7: {  	[tilespmem:s21+$0xA80] =	vst v20  }
0xf8: {  	v20 =	vld.idx.msk [tilespmem:v54+s7+$0x0], $0xffff  }
0xf9: {  	v55 =	vadd.s32 $0xC0, v6;
	_ =	sdelay $0x3  }
0xfa: {  	[tilespmem:s21+$0xB00] =	vst v20  }
0xfb: {  	v20 =	vld.idx.msk [tilespmem:v55+s7+$0x0], $0xffff  }
0xfc: {  	v56 =	vadd.s32 $0x100, v6;
	_ =	sdelay $0x2  }
0xfd: {  	[tilespmem:s20+$0xB80] =	vst v18  }
0xfe: {  	v18 =	vld.idx.msk [tilespmem:v19+s7+$0x0], $0xffff;
	[tilespmem:s21+$0xB80] =	vst v20  }
0xff: {  	v57 =	vadd.s32 $0x140, v5;
	v20 =	vld.idx.msk [tilespmem:v56+s7+$0x0], $0xffff  }
0x100: {  	v58 =	vadd.s32 $0x140, v6;
	_ =	sdelay $0x2  }
0x101: {  	[tilespmem:s20+$0xC00] =	vst v18  }
0x102: {  	v18 =	vld.idx.msk [tilespmem:v57+s7+$0x0], $0xffff;
	[tilespmem:s21+$0xC00] =	vst v20  }
0x103: {  	v59 =	vadd.s32 $0x180, v5;
	v20 =	vld.idx.msk [tilespmem:v58+s7+$0x0], $0xffff  }
0x104: {  	v60 =	vadd.s32 $0x180, v6;
	_ =	sdelay $0x2  }
0x105: {  	[tilespmem:s20+$0xC80] =	vst v18  }
0x106: {  	v18 =	vld.idx.msk [tilespmem:v59+s7+$0x0], $0xffff;
	[tilespmem:s21+$0xC80] =	vst v20  }
0x107: {  	v61 =	vadd.s32 $0x1C0, v5;
	v20 =	vld.idx.msk [tilespmem:v60+s7+$0x0], $0xffff  }
0x108: {  	v62 =	vadd.s32 $0x1C0, v6;
	_ =	sdelay $0x2  }
0x109: {  	[tilespmem:s20+$0xD00] =	vst v18  }
0x10a: {  	v18 =	vld.idx.msk [tilespmem:v61+s7+$0x0], $0xffff;
	[tilespmem:s21+$0xD00] =	vst v20  }
0x10b: {  	v63 =	vadd.s32 $0x200, v5;
	v20 =	vld.idx.msk [tilespmem:v62+s7+$0x0], $0xffff  }
0x10c: {  	v24 =	vadd.s32 $0x200, v6  }
0x10d: {  	s22 =	sor.u32 s25, s22  }
0x10e: {  	s22 =	sor.u32 $0x380, s22;
	s23 =	sor.u32 s23, s24  }
0x10f: {  	s31 =	sor.u32 $0x380, s23;
	[tilespmem:s22+$0xA00] =	vst v18  }
0x110: {  	v18 =	vld.idx.msk [tilespmem:v63+s7+$0x0], $0xffff;
	[tilespmem:s31+$0xA00] =	vst v20  }
0x111: {  	v25 =	vld.idx.msk [tilespmem:v24+s7+$0x0], $0xffff;
	_ =	sdelay $0x2  }
0x112: {  	[tilespmem:s19+$0x1A00] =	vst v17  }
0x113: {  	v9 =	vld.idx.msk [tilespmem:v9+s7+$0x0], $0xffff;
	[tilespmem:s20+$0x1A00] =	vst v18  }
0x114: {  	v26 =	vadd.s32 $0x280, v4;
	v7 =	vld.idx.msk [tilespmem:v7+s7+$0x0], $0xffff;
	[tilespmem:s21+$0x1A00] =	vst v25  }
0x115: {  	v27 =	vadd.s32 $0x280, v5;
	v8 =	vld.idx.msk [tilespmem:v8+s7+$0x0], $0xffff  }
0x116: {  	v28 =	vadd.s32 $0x280, v6;
	_ =	sdelay $0x1  }
0x117: {  	[tilespmem:s19+$0x1A80] =	vst v9  }
0x118: {  	v9 =	vld.idx.msk [tilespmem:v26+s7+$0x0], $0xffff;
	[tilespmem:s20+$0x1A80] =	vst v7  }
0x119: {  	v29 =	vadd.s32 $0x2C0, v4;
	v30 =	vld.idx.msk [tilespmem:v27+s7+$0x0], $0xffff;
	[tilespmem:s21+$0x1A80] =	vst v8  }
0x11a: {  	v31 =	vadd.s32 $0x2C0, v5;
	v32 =	vld.idx.msk [tilespmem:v28+s7+$0x0], $0xffff  }
0x11b: {  	v33 =	vadd.s32 $0x2C0, v6;
	_ =	sdelay $0x1  }
0x11c: {  	[tilespmem:s19+$0x1B00] =	vst v9  }
0x11d: {  	v7 =	vld.idx.msk [tilespmem:v29+s7+$0x0], $0xffff;
	[tilespmem:s20+$0x1B00] =	vst v30  }
0x11e: {  	v34 =	vadd.s32 $0x300, v4;
	v8 =	vld.idx.msk [tilespmem:v31+s7+$0x0], $0xffff;
	[tilespmem:s21+$0x1B00] =	vst v32  }
0x11f: {  	v35 =	vadd.s32 $0x300, v5;
	v18 =	vld.idx.msk [tilespmem:v33+s7+$0x0], $0xffff  }
0x120: {  	v36 =	vadd.s32 $0x300, v6;
	_ =	sdelay $0x1  }
0x121: {  	[tilespmem:s19+$0x1B80] =	vst v7  }
0x122: {  	v7 =	vld.idx.msk [tilespmem:v34+s7+$0x0], $0xffff;
	[tilespmem:s20+$0x1B80] =	vst v8  }
0x123: {  	v37 =	vadd.s32 $0x340, v4;
	v38 =	vld.idx.msk [tilespmem:v35+s7+$0x0], $0xffff;
	[tilespmem:s21+$0x1B80] =	vst v18  }
0x124: {  	v39 =	vadd.s32 $0x340, v5;
	v18 =	vld.idx.msk [tilespmem:v36+s7+$0x0], $0xffff  }
0x125: {  	v40 =	vadd.s32 $0x340, v6;
	_ =	sdelay $0x1  }
0x126: {  	v16 =	vld.idx.msk [tilespmem:v16+s7+$0x0], $0xffff;
	[tilespmem:s19+$0x1C00] =	vst v7  }
0x127: {  	v41 =	vadd.s32 $0x380, v3;
	v8 =	vld.idx.msk [tilespmem:v37+s7+$0x0], $0xffff;
	[tilespmem:s20+$0x1C00] =	vst v38  }
0x128: {  	v42 =	vadd.s32 $0x380, v4;
	v17 =	vld.idx.msk [tilespmem:v39+s7+$0x0], $0xffff;
	[tilespmem:s21+$0x1C00] =	vst v18  }
0x129: {  	v43 =	vadd.s32 $0x380, v5;
	v19 =	vld.idx.msk [tilespmem:v40+s7+$0x0], $0xffff  }
0x12a: {  	v44 =	vadd.s32 $0x380, v6  }
0x12b: {  	[tilespmem:s17+$0x1C80] =	vst v16  }
0x12c: {  	v7 =	vld.idx.msk [tilespmem:v41+s7+$0x0], $0xffff;
	[tilespmem:s19+$0x1C80] =	vst v8  }
0x12d: {  	v45 =	vadd.s32 $0x3C0, v3;
	v9 =	vld.idx.msk [tilespmem:v42+s7+$0x0], $0xffff;
	[tilespmem:s20+$0x1C80] =	vst v17  }
0x12e: {  	v46 =	vadd.s32 $0x3C0, v4;
	v17 =	vld.idx.msk [tilespmem:v43+s7+$0x0], $0xffff;
	[tilespmem:s21+$0x1C80] =	vst v19  }
0x12f: {  	v47 =	vadd.s32 $0x3C0, v5;
	v19 =	vld.idx.msk [tilespmem:v44+s7+$0x0], $0xffff  }
0x130: {  	v48 =	vadd.s32 $0x3C0, v6  }
0x131: {  	[tilespmem:s17+$0x1D00] =	vst v7  }
0x132: {  	v7 =	vld.idx.msk [tilespmem:v45+s7+$0x0], $0xffff;
	[tilespmem:s19+$0x1D00] =	vst v9  }
0x133: {  	v49 =	vadd.s32 $0x400, v3;
	v9 =	vld.idx.msk [tilespmem:v46+s7+$0x0], $0xffff;
	[tilespmem:s20+$0x1D00] =	vst v17  }
0x134: {  	v50 =	vadd.s32 $0x400, v4;
	v17 =	vld.idx.msk [tilespmem:v47+s7+$0x0], $0xffff;
	[tilespmem:s21+$0x1D00] =	vst v19  }
0x135: {  	v51 =	vadd.s32 $0x400, v5;
	v19 =	vld.idx.msk [tilespmem:v48+s7+$0x0], $0xffff  }
0x136: {  	v52 =	vadd.s32 $0x400, v6  }
0x137: {  	[tilespmem:s17+$0x1D80] =	vst v7  }
0x138: {  	v7 =	vld.idx.msk [tilespmem:v49+s7+$0x0], $0xffff;
	[tilespmem:s19+$0x1D80] =	vst v9  }
0x139: {  	v53 =	vadd.s32 $0x440, v3;
	v9 =	vld.idx.msk [tilespmem:v50+s7+$0x0], $0xffff;
	[tilespmem:s20+$0x1D80] =	vst v17  }
0x13a: {  	v54 =	vadd.s32 $0x440, v4;
	v17 =	vld.idx.msk [tilespmem:v51+s7+$0x0], $0xffff;
	[tilespmem:s21+$0x1D80] =	vst v19  }
0x13b: {  	v55 =	vadd.s32 $0x440, v5;
	v19 =	vld.idx.msk [tilespmem:v52+s7+$0x0], $0xffff  }
0x13c: {  	[tilespmem:s18+$0x3D80] =	vst v14;
	v56 =	vadd.s32 $0x440, v6  }
0x13d: {  	[tilespmem:s17+$0x2A00] =	vst v7  }
0x13e: {  	v7 =	vld.idx.msk [tilespmem:v53+s7+$0x0], $0xffff;
	[tilespmem:s19+$0x2A00] =	vst v9  }
0x13f: {  	v57 =	vadd.s32 $0x480, v3;
	v9 =	vld.idx.msk [tilespmem:v54+s7+$0x0], $0xffff;
	[tilespmem:s20+$0x2A00] =	vst v17  }
0x140: {  	v58 =	vadd.s32 $0x480, v4;
	v17 =	vld.idx.msk [tilespmem:v55+s7+$0x0], $0xffff;
	[tilespmem:s21+$0x2A00] =	vst v19  }
0x141: {  	[tilespmem:s15+$0x2A80] =	vst v11;
	v59 =	vadd.s32 $0x480, v5;
	v14 =	vld.idx.msk [tilespmem:v56+s7+$0x0], $0xffff  }
0x142: {  	[tilespmem:s14+$0x2D00] =	vst v13;
	v60 =	vadd.s32 $0x480, v6  }
0x143: {  	v15 =	vld.idx.msk [tilespmem:v15+s7+$0x0], $0xffff;
	[tilespmem:s17+$0x2A80] =	vst v7  }
0x144: {  	v61 =	vadd.s32 $0x4C0, v1;
	v8 =	vld.idx.msk [tilespmem:v57+s7+$0x0], $0xffff;
	[tilespmem:s19+$0x2A80] =	vst v9  }
0x145: {  	v62 =	vadd.s32 $0x4C0, v3;
	v16 =	vld.idx.msk [tilespmem:v58+s7+$0x0], $0xffff;
	[tilespmem:s20+$0x2A80] =	vst v17  }
0x146: {  	v63 =	vadd.s32 $0x4C0, v4;
	v11 =	vld.idx.msk [tilespmem:v59+s7+$0x0], $0xffff;
	[tilespmem:s21+$0x2A80] =	vst v14  }
0x147: {  	[tilespmem:s16+$0x3B80] =	vst v12;
	v20 =	vadd.s32 $0x4C0, v5;
	v13 =	vld.idx.msk [tilespmem:v60+s7+$0x0], $0xffff  }
0x148: {  	v10 =	vld.idx.msk [tilespmem:v10+s7+$0x0], $0xffff;
	[tilespmem:s15+$0x2B00] =	vst v15;
	v21 =	vadd.s32 $0x4C0, v6  }
0x149: {  	v22 =	vadd.s32 $0x700, v2;
	v7 =	vld.idx.msk [tilespmem:v61+s7+$0x0], $0xffff;
	[tilespmem:s17+$0x2B00] =	vst v8  }
0x14a: {  	v23 =	vadd.s32 $0x500, v1;
	v9 =	vld.idx.msk [tilespmem:v62+s7+$0x0], $0xffff;
	[tilespmem:s19+$0x2B00] =	vst v16  }
0x14b: {  	v24 =	vadd.s32 $0x500, v3;
	v17 =	vld.idx.msk [tilespmem:v63+s7+$0x0], $0xffff;
	[tilespmem:s20+$0x2B00] =	vst v11  }
0x14c: {  	v25 =	vadd.s32 $0x500, v4;
	v12 =	vld.idx.msk [tilespmem:v20+s7+$0x0], $0xffff;
	[tilespmem:s21+$0x2B00] =	vst v13  }
0x14d: {  	[tilespmem:s14+$0x2D80] =	vst v10;
	v26 =	vadd.s32 $0x500, v5;
	v13 =	vld.idx.msk [tilespmem:v21+s7+$0x0], $0xffff  }
0x14e: {  	v27 =	vld.idx.msk [tilespmem:v22+s7+$0x0], $0xffff;
	v28 =	vadd.s32 $0x500, v6;
	[tilespmem:s15+$0x2B80] =	vst v7  }
0x14f: {  	v29 =	vadd.s32 $0x600, v0;
	v8 =	vld.idx.msk [tilespmem:v23+s7+$0x0], $0xffff;
	[tilespmem:s17+$0x2B80] =	vst v9  }
0x150: {  	v30 =	vadd.s32 $0x540, v1;
	v16 =	vld.idx.msk [tilespmem:v24+s7+$0x0], $0xffff;
	[tilespmem:s19+$0x2B80] =	vst v17  }
0x151: {  	v31 =	vadd.s32 $0x540, v3;
	v11 =	vld.idx.msk [tilespmem:v25+s7+$0x0], $0xffff;
	[tilespmem:s20+$0x2B80] =	vst v12  }
0x152: {  	v32 =	vadd.s32 $0x540, v4;
	v10 =	vld.idx.msk [tilespmem:v26+s7+$0x0], $0xffff;
	[tilespmem:s21+$0x2B80] =	vst v13  }
0x153: {  	[tilespmem:s16+$0x3C00] =	vst v27;
	v33 =	vadd.s32 $0x540, v5;
	v7 =	vld.idx.msk [tilespmem:v28+s7+$0x0], $0xffff  }
0x154: {  	v34 =	vld.idx.msk [tilespmem:v29+s7+$0x0], $0xffff;
	v35 =	vadd.s32 $0x540, v6;
	[tilespmem:s15+$0x2C00] =	vst v8  }
0x155: {  	v36 =	vadd.s32 $0x740, v2;
	v9 =	vld.idx.msk [tilespmem:v30+s7+$0x0], $0xffff;
	[tilespmem:s17+$0x2C00] =	vst v16  }
0x156: {  	v37 =	vadd.s32 $0x580, v1;
	v17 =	vld.idx.msk [tilespmem:v31+s7+$0x0], $0xffff;
	[tilespmem:s19+$0x2C00] =	vst v11  }
0x157: {  	v38 =	vadd.s32 $0x580, v3;
	v12 =	vld.idx.msk [tilespmem:v32+s7+$0x0], $0xffff;
	[tilespmem:s20+$0x2C00] =	vst v10  }
0x158: {  	v39 =	vadd.s32 $0x580, v4;
	v13 =	vld.idx.msk [tilespmem:v33+s7+$0x0], $0xffff;
	[tilespmem:s21+$0x2C00] =	vst v7  }
0x159: {  	[tilespmem:s14+$0x3A00] =	vst v34;
	v40 =	vadd.s32 $0x580, v5;
	v8 =	vld.idx.msk [tilespmem:v35+s7+$0x0], $0xffff  }
0x15a: {  	v42 =	vadd.s32 $0x580, v6;
	v41 =	vld.idx.msk [tilespmem:v36+s7+$0x0], $0xffff;
	[tilespmem:s15+$0x2C80] =	vst v9  }
0x15b: {  	v43 =	vadd.s32 $0x640, v0;
	v16 =	vld.idx.msk [tilespmem:v37+s7+$0x0], $0xffff;
	[tilespmem:s17+$0x2C80] =	vst v17  }
0x15c: {  	v44 =	vadd.s32 $0x5C0, v1;
	v11 =	vld.idx.msk [tilespmem:v38+s7+$0x0], $0xffff;
	[tilespmem:s19+$0x2C80] =	vst v12  }
0x15d: {  	v45 =	vadd.s32 $0x5C0, v3;
	v10 =	vld.idx.msk [tilespmem:v39+s7+$0x0], $0xffff;
	[tilespmem:s20+$0x2C80] =	vst v13  }
0x15e: {  	v46 =	vadd.s32 $0x5C0, v4;
	v7 =	vld.idx.msk [tilespmem:v40+s7+$0x0], $0xffff;
	[tilespmem:s21+$0x2C80] =	vst v8  }
0x15f: {  	[tilespmem:s16+$0x3C80] =	vst v41;
	v47 =	vadd.s32 $0x5C0, v5;
	v9 =	vld.idx.msk [tilespmem:v42+s7+$0x0], $0xffff  }
0x160: {  	v49 =	vadd.s32 $0x5C0, v6;
	v48 =	vld.idx.msk [tilespmem:v43+s7+$0x0], $0xffff;
	[tilespmem:s15+$0x2D00] =	vst v16  }
0x161: {  	v50 =	vadd.s32 $0x780, v2;
	v17 =	vld.idx.msk [tilespmem:v44+s7+$0x0], $0xffff;
	[tilespmem:s17+$0x2D00] =	vst v11  }
0x162: {  	v51 =	vadd.s32 $0x600, v1;
	v12 =	vld.idx.msk [tilespmem:v45+s7+$0x0], $0xffff;
	[tilespmem:s19+$0x2D00] =	vst v10  }
0x163: {  	v52 =	vadd.s32 $0x600, v3;
	v13 =	vld.idx.msk [tilespmem:v46+s7+$0x0], $0xffff;
	[tilespmem:s20+$0x2D00] =	vst v7  }
0x164: {  	v53 =	vadd.s32 $0x600, v4;
	v8 =	vld.idx.msk [tilespmem:v47+s7+$0x0], $0xffff;
	[tilespmem:s21+$0x2D00] =	vst v9  }
0x165: {  	v54 =	vadd.s32 $0x600, v5;
	[tilespmem:s14+$0x3A80] =	vst v48;
	v55 =	vld.idx.msk [tilespmem:v49+s7+$0x0], $0xffff  }
0x166: {  	v57 =	vadd.s32 $0x600, v6;
	v56 =	vld.idx.msk [tilespmem:v50+s7+$0x0], $0xffff;
	[tilespmem:s15+$0x2D80] =	vst v17  }
0x167: {  	v58 =	vadd.s32 $0x680, v0;
	v11 =	vld.idx.msk [tilespmem:v51+s7+$0x0], $0xffff;
	[tilespmem:s17+$0x2D80] =	vst v12  }
0x168: {  	v59 =	vadd.s32 $0x640, v1;
	v10 =	vld.idx.msk [tilespmem:v52+s7+$0x0], $0xffff;
	[tilespmem:s19+$0x2D80] =	vst v13  }
0x169: {  	v60 =	vadd.s32 $0x640, v3;
	v7 =	vld.idx.msk [tilespmem:v53+s7+$0x0], $0xffff;
	[tilespmem:s20+$0x2D80] =	vst v8  }
0x16a: {  	v61 =	vadd.s32 $0x640, v4;
	v9 =	vld.idx.msk [tilespmem:v54+s7+$0x0], $0xffff;
	[tilespmem:s21+$0x2D80] =	vst v55  }
0x16b: {  	v62 =	vadd.s32 $0x640, v5;
	[tilespmem:s16+$0x3D00] =	vst v56;
	v63 =	vld.idx.msk [tilespmem:v57+s7+$0x0], $0xffff  }
0x16c: {  	v20 =	vld.idx.msk [tilespmem:v58+s7+$0x0], $0xffff;
	v21 =	vadd.s32 $0x640, v6;
	[tilespmem:s15+$0x3A00] =	vst v11  }
0x16d: {  	v22 =	vadd.s32 $0x7C0, v2;
	v12 =	vld.idx.msk [tilespmem:v59+s7+$0x0], $0xffff;
	[tilespmem:s17+$0x3A00] =	vst v10  }
0x16e: {  	v23 =	vadd.s32 $0x680, v1;
	v13 =	vld.idx.msk [tilespmem:v60+s7+$0x0], $0xffff;
	[tilespmem:s19+$0x3A00] =	vst v7  }
0x16f: {  	v24 =	vadd.s32 $0x680, v3;
	v8 =	vld.idx.msk [tilespmem:v61+s7+$0x0], $0xffff;
	[tilespmem:s20+$0x3A00] =	vst v9  }
0x170: {  	v25 =	vadd.s32 $0x680, v4;
	v14 =	vld.idx.msk [tilespmem:v62+s7+$0x0], $0xffff;
	[tilespmem:s21+$0x3A00] =	vst v63  }
0x171: {  	[tilespmem:s14+$0x3B00] =	vst v20;
	v26 =	vadd.s32 $0x680, v5;
	v11 =	vld.idx.msk [tilespmem:v21+s7+$0x0], $0xffff  }
0x172: {  	v27 =	vadd.s32 $0x680, v6;
	v2 =	vld.idx.msk [tilespmem:v22+s7+$0x0], $0xffff;
	[tilespmem:s15+$0x3A80] =	vst v12  }
0x173: {  	v28 =	vadd.s32 $0x6C0, v0;
	v10 =	vld.idx.msk [tilespmem:v23+s7+$0x0], $0xffff;
	[tilespmem:s17+$0x3A80] =	vst v13  }
0x174: {  	v29 =	vadd.s32 $0x6C0, v1;
	v7 =	vld.idx.msk [tilespmem:v24+s7+$0x0], $0xffff;
	[tilespmem:s19+$0x3A80] =	vst v8  }
0x175: {  	v30 =	vadd.s32 $0x6C0, v3;
	v9 =	vld.idx.msk [tilespmem:v25+s7+$0x0], $0xffff;
	[tilespmem:s20+$0x3A80] =	vst v14  }
0x176: {  	v31 =	vadd.s32 $0x6C0, v4;
	v15 =	vld.idx.msk [tilespmem:v26+s7+$0x0], $0xffff;
	[tilespmem:s21+$0x3A80] =	vst v11  }
0x177: {  	v32 =	vadd.s32 $0x6C0, v5;
	[tilespmem:s16+$0x3D80] =	vst v2;
	v11 =	vld.idx.msk [tilespmem:v27+s7+$0x0], $0xffff  }
0x178: {  	v34 =	vadd.s32 $0x6C0, v6;
	v33 =	vld.idx.msk [tilespmem:v28+s7+$0x0], $0xffff;
	[tilespmem:s15+$0x3B00] =	vst v10  }
0x179: {  	v35 =	vadd.s32 $0x700, v0;
	v13 =	vld.idx.msk [tilespmem:v29+s7+$0x0], $0xffff;
	[tilespmem:s17+$0x3B00] =	vst v7  }
0x17a: {  	v36 =	vadd.s32 $0x700, v1;
	v8 =	vld.idx.msk [tilespmem:v30+s7+$0x0], $0xffff;
	[tilespmem:s19+$0x3B00] =	vst v9  }
0x17b: {  	v37 =	vadd.s32 $0x700, v3;
	v14 =	vld.idx.msk [tilespmem:v31+s7+$0x0], $0xffff;
	[tilespmem:s20+$0x3B00] =	vst v15  }
0x17c: {  	v38 =	vadd.s32 $0x700, v4;
	v2 =	vld.idx.msk [tilespmem:v32+s7+$0x0], $0xffff;
	[tilespmem:s21+$0x3B00] =	vst v11  }
0x17d: {  	v39 =	vadd.s32 $0x700, v5;
	[tilespmem:s14+$0x3B80] =	vst v33;
	v10 =	vld.idx.msk [tilespmem:v34+s7+$0x0], $0xffff  }
0x17e: {  	v40 =	vadd.s32 $0x700, v6;
	v12 =	vld.idx.msk [tilespmem:v35+s7+$0x0], $0xffff;
	[tilespmem:s15+$0x3B80] =	vst v13  }
0x17f: {  	v41 =	vadd.s32 $0x740, v0;
	v7 =	vld.idx.msk [tilespmem:v36+s7+$0x0], $0xffff;
	[tilespmem:s17+$0x3B80] =	vst v8  }
0x180: {  	v42 =	vadd.s32 $0x740, v1;
	v9 =	vld.idx.msk [tilespmem:v37+s7+$0x0], $0xffff;
	[tilespmem:s19+$0x3B80] =	vst v14  }
0x181: {  	v43 =	vadd.s32 $0x740, v3;
	v15 =	vld.idx.msk [tilespmem:v38+s7+$0x0], $0xffff;
	[tilespmem:s20+$0x3B80] =	vst v2  }
0x182: {  	v44 =	vadd.s32 $0x740, v4;
	v11 =	vld.idx.msk [tilespmem:v39+s7+$0x0], $0xffff;
	[tilespmem:s21+$0x3B80] =	vst v10  }
0x183: {  	v45 =	vadd.s32 $0x740, v5;
	[tilespmem:s14+$0x3C00] =	vst v12;
	v46 =	vld.idx.msk [tilespmem:v40+s7+$0x0], $0xffff  }
0x184: {  	v48 =	vadd.s32 $0x740, v6;
	v47 =	vld.idx.msk [tilespmem:v41+s7+$0x0], $0xffff;
	[tilespmem:s15+$0x3C00] =	vst v7  }
0x185: {  	v49 =	vadd.s32 $0x780, v0;
	v8 =	vld.idx.msk [tilespmem:v42+s7+$0x0], $0xffff;
	[tilespmem:s17+$0x3C00] =	vst v9  }
0x186: {  	v50 =	vadd.s32 $0x780, v1;
	v14 =	vld.idx.msk [tilespmem:v43+s7+$0x0], $0xffff;
	[tilespmem:s19+$0x3C00] =	vst v15  }
0x187: {  	v51 =	vadd.s32 $0x780, v3;
	v2 =	vld.idx.msk [tilespmem:v44+s7+$0x0], $0xffff;
	[tilespmem:s20+$0x3C00] =	vst v11  }
0x188: {  	v52 =	vadd.s32 $0x780, v4;
	v10 =	vld.idx.msk [tilespmem:v45+s7+$0x0], $0xffff;
	[tilespmem:s21+$0x3C00] =	vst v46  }
0x189: {  	v53 =	vadd.s32 $0x780, v5;
	[tilespmem:s14+$0x3C80] =	vst v47;
	v7 =	vld.idx.msk [tilespmem:v48+s7+$0x0], $0xffff  }
0x18a: {  	v54 =	vadd.s32 $0x780, v6;
	v13 =	vld.idx.msk [tilespmem:v49+s7+$0x0], $0xffff;
	[tilespmem:s15+$0x3C80] =	vst v8  }
0x18b: {  	v55 =	vadd.s32 $0x7C0, v0;
	v9 =	vld.idx.msk [tilespmem:v50+s7+$0x0], $0xffff;
	[tilespmem:s17+$0x3C80] =	vst v14  }
0x18c: {  	v56 =	vadd.s32 $0x7C0, v1;
	v14 =	vld.idx.msk [tilespmem:v51+s7+$0x0], $0xffff;
	[tilespmem:s19+$0x3C80] =	vst v2  }
0x18d: {  	v57 =	vadd.s32 $0x7C0, v3;
	v58 =	vld.idx.msk [tilespmem:v52+s7+$0x0], $0xffff;
	[tilespmem:s20+$0x3C80] =	vst v10  }
0x18e: {  	v59 =	vadd.s32 $0x7C0, v4;
	v10 =	vld.idx.msk [tilespmem:v53+s7+$0x0], $0xffff;
	[tilespmem:s21+$0x3C80] =	vst v7  }
0x18f: {  	v60 =	vadd.s32 $0x7C0, v5;
	[tilespmem:s14+$0x3D00] =	vst v13;
	v7 =	vld.idx.msk [tilespmem:v54+s7+$0x0], $0xffff  }
0x190: {  	v61 =	vadd.s32 $0x7C0, v6;
	v0 =	vld.idx.msk [tilespmem:v55+s7+$0x0], $0xffff;
	[tilespmem:s15+$0x3D00] =	vst v9  }
0x191: {  	v1 =	vld.idx.msk [tilespmem:v56+s7+$0x0], $0xffff;
	[tilespmem:s17+$0x3D00] =	vst v14  }
0x192: {  	v2 =	vld.idx.msk [tilespmem:v57+s7+$0x0], $0xffff;
	[tilespmem:s19+$0x3D00] =	vst v58  }
0x193: {  	v3 =	vld.idx.msk [tilespmem:v59+s7+$0x0], $0xffff;
	[tilespmem:s20+$0x3D00] =	vst v10  }
0x194: {  	v62 =	vld.idx.msk [tilespmem:v60+s7+$0x0], $0xffff;
	[tilespmem:s21+$0x3D00] =	vst v7  }
0x195: {  	[tilespmem:s14+$0x3D80] =	vst v0;
	v63 =	vld.idx.msk [tilespmem:v61+s7+$0x0], $0xffff  }
0x196: {  	[tilespmem:s15+$0x3D80] =	vst v1  }
0x197: {  	[tilespmem:s17+$0x3D80] =	vst v2  }
0x198: {  	s13 =	sadd.s32 $0x1, s13;
	[tilespmem:s19+$0x3D80] =	vst v3  }
0x199: {  	p0 =	sne.s32 s13, s6;
	[tilespmem:s20+$0x3D80] =	vst v62  }
.Ltmp1:
0x19a: {  	[tilespmem:s21+$0x3D80] =	vst v63;
	(pc) =	sbr.rel @p0 .LBB2_1-.Ltmp1, $4  }
0x19b: {  	[hbm4b:s5+s9] =	stream.strided.scatter [tilespmem:s11], [sflag:$0x2], $0x4000, s10, s9, $0x38;
	[tilespmem:$0x4A00] =	vst v63  }
0x19c: {  	_ =	swait.ge [sflag:s12], $0x4000  }
0x19d: {  	[sflag:s12] =	ssyncset.done $0x0  }
0x19e: {  	[sflag:s12] =	ssyncadd.s32 $0xFFFFC000  }
0x19f: {  	_ =	sfence.sel $0x180000  }
0x1a0: {  	[bflag:$0x0] =	sbarrier.arrive $0xFFFF  }
0x1a1: {  	p0 =	sne.s32 s1, $0x0;
	_ =	strace $0x90000047  }
0x1a2: {  	s0 =	sadd.s32 @!p0 $0x100000, s0;
	[bflag:$0x2] =	sbarrier.arrive $0xFFFF  }
0x1a3: {  	[sflag:s0] =	ssyncadd.tile.s32 @!p0 $0x1;
	_ =	shalt  }
.Lfunc_end2:
_tile_overlayer_lowered:
.L_overlay_start_2:
0x1a4: {  	(tag) =	ssettag $0x2  }
0x1a5: {  	s0 =	rddreg [dreg:$0x0];
	s2 =	stileid.u32  }
0x1a6: {  	s1 =	rddreg [dreg:$0x1];
	p0 =	sne.s32 s2, $0x0  }
0x1a7: {  	s3 =	rddreg [dreg:$0x2];
	[bflag:$0x3] =	sbarrier.arrive $0xFFFF;
	s2 =	simm.s32 @!p0 $0x1C03  }
0x1a8: {  	[timem:s3], [sflag:s2] =	dma.local @!p0 [hbm:s0], s1  }
0x1a9: {  	s0 =	simm.s32 @!p0 $0x3  }
0x1aa: {  	_ =	swait.ge @!p0 [sflag:s0], s1  }
0x1ab: {  	s1 =	ssub.s32 @!p0 $0x0, s1;
	[sflag:s0] =	ssyncset.done @!p0 $0x0  }
0x1ac: {  	[sflag:s0] =	ssyncadd.s32 @!p0 s1  }
0x1ad: {  	[bflag:$0x3] =	sbarrier.arrive $0xFFFF  }
0x1ae: {  	_ =	shalt  }

</sc_bundles>
